<compile_context>
chip_gen: v7x
topology: tpu7x:2x2x1
jax: 0.10.2.dev20260603
libtpu: 0.0.44.dev20260713+nightly
codegen_flags: <defaults>
</compile_context>

<pallas_src>
import functools

import jax
import jax.numpy as jnp
from jax import lax
from jax.experimental import pallas as pl
from jax.experimental.pallas import tpu as pltpu
from jax.experimental.pallas import tpu_sc as plsc

NC = 2
NS = 16
NW = NC * NS
CHUNK = 128
BLK = 1024


def _cdiv(a, b):
  return (a + b - 1) // b




def _deg_body(n_pad, cpt, dst_hbm, zeros_hbm, parts_hbm, didx_v, ones_v, dacc):
  cid = lax.axis_index("c")
  sid = lax.axis_index("s")
  wid = sid * NC + cid
  rpt = n_pad // NS
  pltpu.sync_copy(zeros_hbm.at[pl.ds(sid * rpt, rpt)],
                  dacc.at[pl.ds(sid * rpt, rpt)])
  pltpu.sync_copy(dst_hbm.at[wid], didx_v)
  for j in range(CHUNK // 16):
    ones_v[pl.ds(j * 16, 16)] = jnp.ones((16,), jnp.float32)
  plsc.subcore_barrier()

  def chunk(i, carry):
    pltpu.sync_copy(ones_v, dacc.at[didx_v.at[i]], add=True)
    return carry

  lax.fori_loop(0, cpt, chunk, 0)
  plsc.subcore_barrier()
  pltpu.sync_copy(dacc.at[pl.ds(sid * rpt, rpt)],
                  parts_hbm.at[cid, pl.ds(sid * rpt, rpt)])


def _agg_body(n_pad, d, cpt, y_hbm, src_hbm, dst_hbm, zeros_hbm, parts_hbm,
              sidx_v, didx_v, rows0, acc, g0):
  cid = lax.axis_index("c")
  sid = lax.axis_index("s")
  wid = sid * NC + cid
  rpt = n_pad // NS
  with jax.named_scope("agg_zero"):
    pltpu.sync_copy(zeros_hbm, acc.at[pl.ds(sid * rpt, rpt)])
    pltpu.sync_copy(dst_hbm.at[wid], didx_v)
    plsc.subcore_barrier()

  with jax.named_scope("agg_loop"):
    pltpu.sync_copy(src_hbm.at[wid], sidx_v)

    def chunk(i, carry):
      pltpu.async_copy(y_hbm.at[sidx_v.at[i]], rows0, g0).wait()
      pltpu.sync_copy(rows0, acc.at[didx_v.at[i]], add=True)
      return carry

    lax.fori_loop(0, cpt, chunk, 0)
    plsc.subcore_barrier()
  with jax.named_scope("agg_wb"):
    pltpu.sync_copy(acc.at[pl.ds(sid * rpt, rpt)],
                    parts_hbm.at[cid, pl.ds(sid * rpt, rpt)])


def _sc_mesh(nc=NC):
  return plsc.VectorSubcoreMesh(core_axis_name="c", subcore_axis_name="s",
                                num_cores=nc, num_subcores=NS)


def _deg_kernel(n_pad, cpt):
  return pl.kernel(
      functools.partial(_deg_body, n_pad, cpt),
      out_type=jax.ShapeDtypeStruct((NC, n_pad), jnp.float32),
      mesh=_sc_mesh(),
      scratch_types=[
          pltpu.VMEM((cpt, CHUNK), jnp.int32),
          pltpu.VMEM((CHUNK,), jnp.float32),
          pltpu.VMEM_SHARED((n_pad,), jnp.float32),
      ],
  )


def _agg_kernel(n_pad, d, cpt, dtype):
  return pl.kernel(
      functools.partial(_agg_body, n_pad, d, cpt),
      out_type=jax.ShapeDtypeStruct((NC, n_pad, d), dtype),
      mesh=_sc_mesh(),
      scratch_types=[
          pltpu.VMEM((cpt, CHUNK), jnp.int32),
          pltpu.VMEM((cpt, CHUNK), jnp.int32),
          pltpu.VMEM((CHUNK, d), dtype),
          pltpu.VMEM_SHARED((n_pad, d), dtype),
          pltpu.SemaphoreType.DMA,
      ],
  )




def _k1_body(x_ref, w_ref, dp_ref, y_ref, dinv_ref):
  deg = dp_ref[0, :] + dp_ref[1, :] + 1.0
  dinv = lax.rsqrt(deg)
  dinv_ref[...] = dinv
  xw = jnp.dot(x_ref[...], w_ref[...], preferred_element_type=jnp.float32)
  y_ref[...] = (xw * dinv[:, None]).astype(y_ref.dtype)


def _k2_body(p_ref, y_ref, dinv_ref, w_ref, b_ref, a_ref, o_ref):
  dinv = dinv_ref[...][:, None]
  agg = (p_ref[0].astype(jnp.float32) + p_ref[1].astype(jnp.float32)
         + y_ref[...].astype(jnp.float32))
  t = agg * dinv + b_ref[...]
  z = jnp.where(t >= 0, t, a_ref[...] * t)
  zw = jnp.dot(z, w_ref[...], preferred_element_type=jnp.float32)
  o_ref[...] = (zw * dinv).astype(o_ref.dtype)


def _k3_body(p_ref, y_ref, dinv_ref, b_ref, a_ref, o_ref):
  dinv = dinv_ref[...][:, None]
  agg = (p_ref[0].astype(jnp.float32) + p_ref[1].astype(jnp.float32)
         + y_ref[...].astype(jnp.float32))
  t = agg * dinv + b_ref[...]
  o_ref[...] = jnp.where(t >= 0, t, a_ref[...] * t)


def _row_spec(d):
  return pl.BlockSpec((BLK, d), lambda i: (i, 0))


def _vec_spec():
  return pl.BlockSpec((BLK,), lambda i: (i,))


def _parts_spec(d):
  return pl.BlockSpec((NC, BLK, d), lambda i: (0, i, 0))


def _full_spec(shape, nd):
  return pl.BlockSpec(shape, lambda i: (0,) * nd)


def kernel(x, edge_index, W1, b1, a1, W2, b2, a2):
  n, d = x.shape
  e = edge_index.shape[1]
  n_pad = _cdiv(n + 1, NS * 8) * NS * 8
  n_pad = _cdiv(n_pad, BLK) * BLK
  grid = n_pad // BLK

  cpt = _cdiv(e, NW * CHUNK)
  totc = NW * cpt
  e_pad = totc * CHUNK

  ei = edge_index.astype(jnp.int32)
  pad = jnp.full((2, e_pad - e), n, jnp.int32)
  ei = jnp.concatenate([ei, pad], axis=1)
  src = ei[0].reshape(NW, cpt, CHUNK)
  dst = ei[1].reshape(NW, cpt, CHUNK)

  x_pad = jnp.zeros((n_pad, d), x.dtype).at[:n].set(x)
  zeros_1d = jnp.zeros((n_pad,), jnp.float32)
  b1r, a1r = b1.reshape(1, d), a1.reshape(1, d)
  b2r, a2r = b2.reshape(1, d), a2.reshape(1, d)

  dparts = _deg_kernel(n_pad, cpt)(dst, zeros_1d)

  k1 = pl.pallas_call(
      _k1_body,
      grid=(grid,),
      in_specs=[_row_spec(d), _full_spec((d, d), 2),
                pl.BlockSpec((NC, BLK), lambda i: (0, i))],
      out_specs=[_row_spec(d), _vec_spec()],
      out_shape=[jax.ShapeDtypeStruct((n_pad, d), jnp.float32),
                 jax.ShapeDtypeStruct((n_pad,), jnp.float32)],
  )
  y1, dinv = k1(x_pad, W1, dparts)

  zeros_rpt = jnp.zeros((n_pad // NS, d), jnp.float32)
  agg = _agg_kernel(n_pad, d, cpt, jnp.float32)
  parts1 = agg(y1, src, dst, zeros_rpt)

  k2 = pl.pallas_call(
      _k2_body,
      grid=(grid,),
      in_specs=[_parts_spec(d), _row_spec(d), _vec_spec(),
                _full_spec((d, d), 2), _full_spec((1, d), 2),
                _full_spec((1, d), 2)],
      out_specs=_row_spec(d),
      out_shape=jax.ShapeDtypeStruct((n_pad, d), jnp.float32),
  )
  y2 = k2(parts1, y1, dinv, W2, b1r, a1r)

  parts2 = agg(y2, src, dst, zeros_rpt)

  k3 = pl.pallas_call(
      _k3_body,
      grid=(grid,),
      in_specs=[_parts_spec(d), _row_spec(d), _vec_spec(),
                _full_spec((1, d), 2), _full_spec((1, d), 2)],
      out_specs=_row_spec(d),
      out_shape=jax.ShapeDtypeStruct((n_pad, d), jnp.float32),
  )
  z = k3(parts2, y2, dinv, b2r, a2r)
  return z[:n]

# --- scband reference (transcript-rebuilt; emitter-appended) ---
"""Pipeline reference for scband-gconv-1288490189513 (READ-ONLY COPY).

The authoritative reference and input builder live on the scoring server;
editing this copy changes nothing except your own understanding.
"""

import jax, jax.numpy as jnp
import numpy as np


def _gcn_conv(x, edge_index, W, b):
    N = x.shape[0]
    src = edge_index[0]
    dst = edge_index[1]
    # add self-loops (PyG GCNConv default add_self_loops=True)
    loop = jnp.arange(N, dtype=src.dtype)
    src = jnp.concatenate([src, loop])
    dst = jnp.concatenate([dst, loop])
    xw = x @ W
    # symmetric normalization D^-1/2 (A+I) D^-1/2 with unit edge weights
    ones = jnp.ones(src.shape[0], dtype=x.dtype)
    deg = jnp.zeros((N,), dtype=x.dtype).at[dst].add(ones)
    dinv = jnp.where(deg > 0, deg ** -0.5, 0.0)
    norm = dinv[src] * dinv[dst]
    msg = xw[src] * norm[:, None]
    out = jnp.zeros_like(xw).at[dst].add(msg)
    return out + b


def _prelu(z, a):
    return jnp.where(z >= 0, z, a * z)


def setup_inputs(seed: int = 0) -> dict:
    key = jax.random.key(seed)
    ks = jax.random.split(key, 4)
    N, d_in, d_h = 10000, 128, 128
    E = 320000
    x = jax.random.normal(ks[0], (N, d_in), dtype=jnp.float32)
    edge_index = jax.random.randint(ks[1], (2, E), 0, N, dtype=jnp.int64)
    s1 = 1.0 / np.sqrt(d_in)
    s2 = 1.0 / np.sqrt(d_h)
    W1 = jax.random.uniform(ks[2], (d_in, d_h), dtype=jnp.float32, minval=-s1, maxval=s1)
    b1 = jnp.zeros((d_h,), dtype=jnp.float32)
    a1 = 0.25 * jnp.ones((d_h,), dtype=jnp.float32)
    W2 = jax.random.uniform(ks[3], (d_h, d_h), dtype=jnp.float32, minval=-s2, maxval=s2)
    b2 = jnp.zeros((d_h,), dtype=jnp.float32)
    a2 = 0.25 * jnp.ones((d_h,), dtype=jnp.float32)
    return {"x": x, "edge_index": edge_index, "W1": W1, "b1": b1, "a1": a1, "W2": W2, "b2": b2, "a2": a2}


def reference(x, edge_index, W1, b1, a1, W2, b2, a2):
    z = _prelu(_gcn_conv(x, edge_index, W1, b1), a1)
    z = _prelu(_gcn_conv(z, edge_index, W2, b2), a2)
    return z

if __name__ == "__main__":
    import jax
    _d = setup_inputs()
    print(jax.jit(kernel)(*tuple(_d.values())))

</pallas_src>

<mosaic_0001>
#map = affine_map<(d0, d1) -> (0, 0)>
#map1 = affine_map<(d0, d1) -> (0, 0, 0)>
module attributes {stable_mosaic.version = 14 : i64} {
  func.func @_agg_body(%arg0: i32, %arg1: i32, %arg2: memref<10240x128xf32, #tpu.memory_space<hbm>>, %arg3: memref<32x79x128xi32, #tpu.memory_space<hbm>>, %arg4: memref<32x79x128xi32, #tpu.memory_space<hbm>>, %arg5: memref<640x128xf32, #tpu.memory_space<hbm>>, %arg6: memref<2x10240x128xf32, #tpu.memory_space<hbm>>, %arg7: memref<79x128xi32, #tpu.memory_space<vmem>>, %arg8: memref<79x128xi32, #tpu.memory_space<vmem>>, %arg9: memref<128x128xf32, #tpu.memory_space<vmem>>, %arg10: memref<10240x128xf32, #tpu.memory_space<vmem_shared>>, %arg11: memref<!tpu.dma_semaphore, #tpu.memory_space<semaphore_mem>>) attributes {dimension_semantics = [#tpu.dimension_semantics<core_parallel>, #tpu.dimension_semantics<subcore_parallel>], iteration_bounds = array<i64: 2, 16>, scalar_prefetch = 0 : i64, scratch_operands = 5 : i64, tpu.core_type = #tpu.core_type<sc_vector_subcore>, window_params = [{transform_indices = #map}, {transform_indices = #map1}, {transform_indices = #map1}, {transform_indices = #map}, {transform_indices = #map1}]} {
    %mul3A = arith.constant 2 : i32
    %mul3A_0 = arith.muli %arg1, %mul3A : i32
    %add3A = arith.addi %mul3A_0, %arg0 : i32
    "tpu.trace_start"() <{level = 10 : i32, message = "agg_zero"}> : () -> ()
    %mul3A_1 = arith.constant 640 : i32
    %mul3A_2 = arith.muli %arg1, %mul3A_1 : i32
    "tpu.region"() ({
      %run_scoped3A = tpu.sem_alloc : memref<!tpu.dma_semaphore, #tpu.memory_space<semaphore_mem>>
      %dma_start3A = arith.constant 0 : i32
      %dma_start3A_13 = tpu.memref_slice %arg10[%mul3A_2, %dma_start3A] : memref<10240x128xf32, #tpu.memory_space<vmem_shared>> -> memref<640x128xf32, #tpu.memory_space<vmem_shared>>
      tpu.enqueue_dma source(%arg5 : memref<640x128xf32, #tpu.memory_space<hbm>>) target(%dma_start3A_13 : memref<640x128xf32, #tpu.memory_space<vmem_shared>>) target_semaphore(%run_scoped3A : memref<!tpu.dma_semaphore, #tpu.memory_space<semaphore_mem>>)
      %dma_wait3A = arith.constant 0 : i32
      %dma_wait3A_14 = tpu.memref_slice %arg10[%mul3A_2, %dma_wait3A] : memref<10240x128xf32, #tpu.memory_space<vmem_shared>> -> memref<640x128xf32, #tpu.memory_space<vmem_shared>>
      tpu.wait_dma2 semaphore(%run_scoped3A : memref<!tpu.dma_semaphore, #tpu.memory_space<semaphore_mem>>) src(%arg5 : memref<640x128xf32, #tpu.memory_space<hbm>>) dst(%dma_wait3A_14 : memref<640x128xf32, #tpu.memory_space<vmem_shared>>)
      tpu.yield
    }) : () -> ()
    "tpu.region"() ({
      %run_scoped3A = tpu.sem_alloc : memref<!tpu.dma_semaphore, #tpu.memory_space<semaphore_mem>>
      %dma_start3A = arith.constant 0 : i32
      %dma_start3A_13 = arith.constant 0 : i32
      %dma_start3A_14 = tpu.memref_slice %arg4[%add3A, %dma_start3A, %dma_start3A_13] : memref<32x79x128xi32, #tpu.memory_space<hbm>> -> memref<1x79x128xi32, #tpu.memory_space<hbm>>
      %dma_start3A_15 = tpu.memref_squeeze %dma_start3A_14 : memref<1x79x128xi32, #tpu.memory_space<hbm>> -> memref<79x128xi32, #tpu.memory_space<hbm>>
      %dma_start3A_16 = arith.constant 0 : i32
      %dma_start3A_17 = arith.constant 0 : i32
      %dma_start3A_18 = tpu.memref_slice %arg4[%add3A, %dma_start3A_16, %dma_start3A_17] : memref<32x79x128xi32, #tpu.memory_space<hbm>> -> memref<1x79x128xi32, #tpu.memory_space<hbm>>
      %dma_start3A_19 = tpu.memref_squeeze %dma_start3A_18 : memref<1x79x128xi32, #tpu.memory_space<hbm>> -> memref<79x128xi32, #tpu.memory_space<hbm>>
      tpu.enqueue_dma source(%dma_start3A_19 : memref<79x128xi32, #tpu.memory_space<hbm>>) target(%arg8 : memref<79x128xi32, #tpu.memory_space<vmem>>) target_semaphore(%run_scoped3A : memref<!tpu.dma_semaphore, #tpu.memory_space<semaphore_mem>>)
      %dma_wait3A = arith.constant 0 : i32
      %dma_wait3A_20 = arith.constant 0 : i32
      %dma_wait3A_21 = tpu.memref_slice %arg4[%add3A, %dma_wait3A, %dma_wait3A_20] : memref<32x79x128xi32, #tpu.memory_space<hbm>> -> memref<1x79x128xi32, #tpu.memory_space<hbm>>
      %dma_wait3A_22 = tpu.memref_squeeze %dma_wait3A_21 : memref<1x79x128xi32, #tpu.memory_space<hbm>> -> memref<79x128xi32, #tpu.memory_space<hbm>>
      %dma_wait3A_23 = arith.constant 0 : i32
      %dma_wait3A_24 = arith.constant 0 : i32
      %dma_wait3A_25 = tpu.memref_slice %arg4[%add3A, %dma_wait3A_23, %dma_wait3A_24] : memref<32x79x128xi32, #tpu.memory_space<hbm>> -> memref<1x79x128xi32, #tpu.memory_space<hbm>>
      %dma_wait3A_26 = tpu.memref_squeeze %dma_wait3A_25 : memref<1x79x128xi32, #tpu.memory_space<hbm>> -> memref<79x128xi32, #tpu.memory_space<hbm>>
      tpu.wait_dma2 semaphore(%run_scoped3A : memref<!tpu.dma_semaphore, #tpu.memory_space<semaphore_mem>>) src(%dma_wait3A_26 : memref<79x128xi32, #tpu.memory_space<hbm>>) dst(%arg8 : memref<79x128xi32, #tpu.memory_space<vmem>>)
      tpu.yield
    }) : () -> ()
    %barrier3A = arith.constant 0 : index
    tpu.barrier barrier_id(%barrier3A)
    "tpu.trace_stop"() : () -> ()
    "tpu.trace_start"() <{level = 10 : i32, message = "agg_loop"}> : () -> ()
    "tpu.region"() ({
      %run_scoped3A = tpu.sem_alloc : memref<!tpu.dma_semaphore, #tpu.memory_space<semaphore_mem>>
      %dma_start3A = arith.constant 0 : i32
      %dma_start3A_13 = arith.constant 0 : i32
      %dma_start3A_14 = tpu.memref_slice %arg3[%add3A, %dma_start3A, %dma_start3A_13] : memref<32x79x128xi32, #tpu.memory_space<hbm>> -> memref<1x79x128xi32, #tpu.memory_space<hbm>>
      %dma_start3A_15 = tpu.memref_squeeze %dma_start3A_14 : memref<1x79x128xi32, #tpu.memory_space<hbm>> -> memref<79x128xi32, #tpu.memory_space<hbm>>
      %dma_start3A_16 = arith.constant 0 : i32
      %dma_start3A_17 = arith.constant 0 : i32
      %dma_start3A_18 = tpu.memref_slice %arg3[%add3A, %dma_start3A_16, %dma_start3A_17] : memref<32x79x128xi32, #tpu.memory_space<hbm>> -> memref<1x79x128xi32, #tpu.memory_space<hbm>>
      %dma_start3A_19 = tpu.memref_squeeze %dma_start3A_18 : memref<1x79x128xi32, #tpu.memory_space<hbm>> -> memref<79x128xi32, #tpu.memory_space<hbm>>
      tpu.enqueue_dma source(%dma_start3A_19 : memref<79x128xi32, #tpu.memory_space<hbm>>) target(%arg7 : memref<79x128xi32, #tpu.memory_space<vmem>>) target_semaphore(%run_scoped3A : memref<!tpu.dma_semaphore, #tpu.memory_space<semaphore_mem>>)
      %dma_wait3A = arith.constant 0 : i32
      %dma_wait3A_20 = arith.constant 0 : i32
      %dma_wait3A_21 = tpu.memref_slice %arg3[%add3A, %dma_wait3A, %dma_wait3A_20] : memref<32x79x128xi32, #tpu.memory_space<hbm>> -> memref<1x79x128xi32, #tpu.memory_space<hbm>>
      %dma_wait3A_22 = tpu.memref_squeeze %dma_wait3A_21 : memref<1x79x128xi32, #tpu.memory_space<hbm>> -> memref<79x128xi32, #tpu.memory_space<hbm>>
      %dma_wait3A_23 = arith.constant 0 : i32
      %dma_wait3A_24 = arith.constant 0 : i32
      %dma_wait3A_25 = tpu.memref_slice %arg3[%add3A, %dma_wait3A_23, %dma_wait3A_24] : memref<32x79x128xi32, #tpu.memory_space<hbm>> -> memref<1x79x128xi32, #tpu.memory_space<hbm>>
      %dma_wait3A_26 = tpu.memref_squeeze %dma_wait3A_25 : memref<1x79x128xi32, #tpu.memory_space<hbm>> -> memref<79x128xi32, #tpu.memory_space<hbm>>
      tpu.wait_dma2 semaphore(%run_scoped3A : memref<!tpu.dma_semaphore, #tpu.memory_space<semaphore_mem>>) src(%dma_wait3A_26 : memref<79x128xi32, #tpu.memory_space<hbm>>) dst(%arg7 : memref<79x128xi32, #tpu.memory_space<vmem>>)
      tpu.yield
    }) : () -> ()
    %scan3A = arith.constant 0 : i32
    %scan3A_3 = arith.constant 0 : i32
    %scan3A_4 = arith.constant 79 : i32
    %scan3A_5 = arith.addi %scan3A_3, %scan3A_4 : i32
    %scan3A_6 = arith.constant 1 : i32
    scf.for %scan3A_13 = %scan3A_3 to %scan3A_5 step %scan3A_6  : i32 {
      %dma_start3A = arith.constant 0 : i32
      %dma_start3A_14 = tpu.memref_slice %arg7[%scan3A_13, %dma_start3A] : memref<79x128xi32, #tpu.memory_space<vmem>> -> memref<1x128xi32, #tpu.memory_space<vmem>>
      %dma_start3A_15 = tpu.memref_squeeze %dma_start3A_14 : memref<1x128xi32, #tpu.memory_space<vmem>> -> memref<128xi32, #tpu.memory_space<vmem>>
      %dma_start3A_16 = arith.constant 0 : i32
      %dma_start3A_17 = arith.constant 0 : i32
      %dma_start3A_18 = tpu.memref_slice %arg2[%dma_start3A_16, %dma_start3A_17] : memref<10240x128xf32, #tpu.memory_space<hbm>> -> memref<10240x128xf32, #tpu.memory_space<hbm>>
      tpu.enqueue_indirect_dma source(%dma_start3A_18 : memref<10240x128xf32, #tpu.memory_space<hbm>>) target(%arg9 : memref<128x128xf32, #tpu.memory_space<vmem>>) offsets(%dma_start3A_15 : memref<128xi32, #tpu.memory_space<vmem>>) semaphore(%arg11 : memref<!tpu.dma_semaphore, #tpu.memory_space<semaphore_mem>>)
      %dma_wait3A = arith.constant 0 : i32
      %dma_wait3A_19 = tpu.memref_slice %arg7[%scan3A_13, %dma_wait3A] : memref<79x128xi32, #tpu.memory_space<vmem>> -> memref<1x128xi32, #tpu.memory_space<vmem>>
      %dma_wait3A_20 = tpu.memref_squeeze %dma_wait3A_19 : memref<1x128xi32, #tpu.memory_space<vmem>> -> memref<128xi32, #tpu.memory_space<vmem>>
      %dma_wait3A_21 = arith.constant 0 : i32
      %dma_wait3A_22 = arith.constant 0 : i32
      %dma_wait3A_23 = tpu.memref_slice %arg2[%dma_wait3A_21, %dma_wait3A_22] : memref<10240x128xf32, #tpu.memory_space<hbm>> -> memref<10240x128xf32, #tpu.memory_space<hbm>>
      tpu.wait_indirect_dma semaphore(%arg11 : memref<!tpu.dma_semaphore, #tpu.memory_space<semaphore_mem>>) src(%dma_wait3A_23 : memref<10240x128xf32, #tpu.memory_space<hbm>>) dst(%arg9 : memref<128x128xf32, #tpu.memory_space<vmem>>)
      "tpu.region"() ({
        %run_scoped3A = tpu.sem_alloc : memref<!tpu.dma_semaphore, #tpu.memory_space<semaphore_mem>>
        %dma_start3A_24 = arith.constant 0 : i32
        %dma_start3A_25 = tpu.memref_slice %arg8[%scan3A_13, %dma_start3A_24] : memref<79x128xi32, #tpu.memory_space<vmem>> -> memref<1x128xi32, #tpu.memory_space<vmem>>
        %dma_start3A_26 = tpu.memref_squeeze %dma_start3A_25 : memref<1x128xi32, #tpu.memory_space<vmem>> -> memref<128xi32, #tpu.memory_space<vmem>>
        %dma_start3A_27 = arith.constant 0 : i32
        %dma_start3A_28 = arith.constant 0 : i32
        %dma_start3A_29 = tpu.memref_slice %arg10[%dma_start3A_27, %dma_start3A_28] : memref<10240x128xf32, #tpu.memory_space<vmem_shared>> -> memref<10240x128xf32, #tpu.memory_space<vmem_shared>>
        tpu.enqueue_indirect_dma source(%arg9 : memref<128x128xf32, #tpu.memory_space<vmem>>) target(%dma_start3A_29 : memref<10240x128xf32, #tpu.memory_space<vmem_shared>>) offsets(%dma_start3A_26 : memref<128xi32, #tpu.memory_space<vmem>>) semaphore(%run_scoped3A : memref<!tpu.dma_semaphore, #tpu.memory_space<semaphore_mem>>) {add = true}
        %dma_wait3A_30 = arith.constant 0 : i32
        %dma_wait3A_31 = tpu.memref_slice %arg8[%scan3A_13, %dma_wait3A_30] : memref<79x128xi32, #tpu.memory_space<vmem>> -> memref<1x128xi32, #tpu.memory_space<vmem>>
        %dma_wait3A_32 = tpu.memref_squeeze %dma_wait3A_31 : memref<1x128xi32, #tpu.memory_space<vmem>> -> memref<128xi32, #tpu.memory_space<vmem>>
        %dma_wait3A_33 = arith.constant 0 : i32
        %dma_wait3A_34 = arith.constant 0 : i32
        %dma_wait3A_35 = tpu.memref_slice %arg10[%dma_wait3A_33, %dma_wait3A_34] : memref<10240x128xf32, #tpu.memory_space<vmem_shared>> -> memref<10240x128xf32, #tpu.memory_space<vmem_shared>>
        tpu.wait_indirect_dma semaphore(%run_scoped3A : memref<!tpu.dma_semaphore, #tpu.memory_space<semaphore_mem>>) src(%arg9 : memref<128x128xf32, #tpu.memory_space<vmem>>) dst(%dma_wait3A_35 : memref<10240x128xf32, #tpu.memory_space<vmem_shared>>)
        tpu.yield
      }) : () -> ()
    }
    %scan3A_7 = arith.constant 79 : i32
    %barrier3A_8 = arith.constant 0 : index
    tpu.barrier barrier_id(%barrier3A_8)
    "tpu.trace_stop"() : () -> ()
    "tpu.trace_start"() <{level = 10 : i32, message = "agg_wb"}> : () -> ()
    %mul3A_9 = arith.constant 640 : i32
    %mul3A_10 = arith.muli %arg1, %mul3A_9 : i32
    %mul3A_11 = arith.constant 640 : i32
    %mul3A_12 = arith.muli %arg1, %mul3A_11 : i32
    "tpu.region"() ({
      %run_scoped3A = tpu.sem_alloc : memref<!tpu.dma_semaphore, #tpu.memory_space<semaphore_mem>>
      %dma_start3A = arith.constant 0 : i32
      %dma_start3A_13 = tpu.memref_slice %arg6[%arg0, %mul3A_12, %dma_start3A] : memref<2x10240x128xf32, #tpu.memory_space<hbm>> -> memref<1x640x128xf32, #tpu.memory_space<hbm>>
      %dma_start3A_14 = tpu.memref_squeeze %dma_start3A_13 : memref<1x640x128xf32, #tpu.memory_space<hbm>> -> memref<640x128xf32, #tpu.memory_space<hbm>>
      %dma_start3A_15 = arith.constant 0 : i32
      %dma_start3A_16 = tpu.memref_slice %arg10[%mul3A_10, %dma_start3A_15] : memref<10240x128xf32, #tpu.memory_space<vmem_shared>> -> memref<640x128xf32, #tpu.memory_space<vmem_shared>>
      tpu.enqueue_dma source(%dma_start3A_16 : memref<640x128xf32, #tpu.memory_space<vmem_shared>>) target(%dma_start3A_14 : memref<640x128xf32, #tpu.memory_space<hbm>>) target_semaphore(%run_scoped3A : memref<!tpu.dma_semaphore, #tpu.memory_space<semaphore_mem>>)
      %dma_wait3A = arith.constant 0 : i32
      %dma_wait3A_17 = tpu.memref_slice %arg6[%arg0, %mul3A_12, %dma_wait3A] : memref<2x10240x128xf32, #tpu.memory_space<hbm>> -> memref<1x640x128xf32, #tpu.memory_space<hbm>>
      %dma_wait3A_18 = tpu.memref_squeeze %dma_wait3A_17 : memref<1x640x128xf32, #tpu.memory_space<hbm>> -> memref<640x128xf32, #tpu.memory_space<hbm>>
      %dma_wait3A_19 = arith.constant 0 : i32
      %dma_wait3A_20 = tpu.memref_slice %arg10[%mul3A_10, %dma_wait3A_19] : memref<10240x128xf32, #tpu.memory_space<vmem_shared>> -> memref<640x128xf32, #tpu.memory_space<vmem_shared>>
      tpu.wait_dma2 semaphore(%run_scoped3A : memref<!tpu.dma_semaphore, #tpu.memory_space<semaphore_mem>>) src(%dma_wait3A_20 : memref<640x128xf32, #tpu.memory_space<vmem_shared>>) dst(%dma_wait3A_18 : memref<640x128xf32, #tpu.memory_space<hbm>>)
      tpu.yield
    }) : () -> ()
    "tpu.trace_stop"() : () -> ()
    return
  }
}

#map = affine_map<(d0, d1) -> (0, 0)>
#map1 = affine_map<(d0, d1) -> (0, 0, 0)>
module attributes {stable_mosaic.version = 14 : i64} {
  func.func @_agg_body(%arg0: i32, %arg1: i32, %arg2: memref<10240x128xf32, #tpu.memory_space<hbm>>, %arg3: memref<32x79x128xi32, #tpu.memory_space<hbm>>, %arg4: memref<32x79x128xi32, #tpu.memory_space<hbm>>, %arg5: memref<640x128xf32, #tpu.memory_space<hbm>>, %arg6: memref<2x10240x128xf32, #tpu.memory_space<hbm>>, %arg7: memref<79x128xi32, #tpu.memory_space<vmem>>, %arg8: memref<79x128xi32, #tpu.memory_space<vmem>>, %arg9: memref<128x128xf32, #tpu.memory_space<vmem>>, %arg10: memref<10240x128xf32, #tpu.memory_space<vmem_shared>>, %arg11: memref<!tpu.dma_semaphore, #tpu.memory_space<semaphore_mem>>) attributes {dimension_semantics = [#tpu.dimension_semantics<core_parallel>, #tpu.dimension_semantics<subcore_parallel>], iteration_bounds = array<i64: 2, 16>, scalar_prefetch = 0 : i64, scratch_operands = 5 : i64, tpu.core_type = #tpu.core_type<sc_vector_subcore>, window_params = [{transform_indices = #map}, {transform_indices = #map1}, {transform_indices = #map1}, {transform_indices = #map}, {transform_indices = #map1}]} {
    %mul3A = arith.constant 2 : i32
    %mul3A_0 = arith.muli %arg1, %mul3A : i32
    %add3A = arith.addi %mul3A_0, %arg0 : i32
    "tpu.trace_start"() <{level = 10 : i32, message = "agg_zero"}> : () -> ()
    %mul3A_1 = arith.constant 640 : i32
    %mul3A_2 = arith.muli %arg1, %mul3A_1 : i32
    "tpu.region"() ({
      %run_scoped3A = tpu.sem_alloc : memref<!tpu.dma_semaphore, #tpu.memory_space<semaphore_mem>>
      %dma_start3A = arith.constant 0 : i32
      %dma_start3A_13 = tpu.memref_slice %arg10[%mul3A_2, %dma_start3A] : memref<10240x128xf32, #tpu.memory_space<vmem_shared>> -> memref<640x128xf32, #tpu.memory_space<vmem_shared>>
      tpu.enqueue_dma source(%arg5 : memref<640x128xf32, #tpu.memory_space<hbm>>) target(%dma_start3A_13 : memref<640x128xf32, #tpu.memory_space<vmem_shared>>) target_semaphore(%run_scoped3A : memref<!tpu.dma_semaphore, #tpu.memory_space<semaphore_mem>>)
      %dma_wait3A = arith.constant 0 : i32
      %dma_wait3A_14 = tpu.memref_slice %arg10[%mul3A_2, %dma_wait3A] : memref<10240x128xf32, #tpu.memory_space<vmem_shared>> -> memref<640x128xf32, #tpu.memory_space<vmem_shared>>
      tpu.wait_dma2 semaphore(%run_scoped3A : memref<!tpu.dma_semaphore, #tpu.memory_space<semaphore_mem>>) src(%arg5 : memref<640x128xf32, #tpu.memory_space<hbm>>) dst(%dma_wait3A_14 : memref<640x128xf32, #tpu.memory_space<vmem_shared>>)
      tpu.yield
    }) : () -> ()
    "tpu.region"() ({
      %run_scoped3A = tpu.sem_alloc : memref<!tpu.dma_semaphore, #tpu.memory_space<semaphore_mem>>
      %dma_start3A = arith.constant 0 : i32
      %dma_start3A_13 = arith.constant 0 : i32
      %dma_start3A_14 = tpu.memref_slice %arg4[%add3A, %dma_start3A, %dma_start3A_13] : memref<32x79x128xi32, #tpu.memory_space<hbm>> -> memref<1x79x128xi32, #tpu.memory_space<hbm>>
      %dma_start3A_15 = tpu.memref_squeeze %dma_start3A_14 : memref<1x79x128xi32, #tpu.memory_space<hbm>> -> memref<79x128xi32, #tpu.memory_space<hbm>>
      %dma_start3A_16 = arith.constant 0 : i32
      %dma_start3A_17 = arith.constant 0 : i32
      %dma_start3A_18 = tpu.memref_slice %arg4[%add3A, %dma_start3A_16, %dma_start3A_17] : memref<32x79x128xi32, #tpu.memory_space<hbm>> -> memref<1x79x128xi32, #tpu.memory_space<hbm>>
      %dma_start3A_19 = tpu.memref_squeeze %dma_start3A_18 : memref<1x79x128xi32, #tpu.memory_space<hbm>> -> memref<79x128xi32, #tpu.memory_space<hbm>>
      tpu.enqueue_dma source(%dma_start3A_19 : memref<79x128xi32, #tpu.memory_space<hbm>>) target(%arg8 : memref<79x128xi32, #tpu.memory_space<vmem>>) target_semaphore(%run_scoped3A : memref<!tpu.dma_semaphore, #tpu.memory_space<semaphore_mem>>)
      %dma_wait3A = arith.constant 0 : i32
      %dma_wait3A_20 = arith.constant 0 : i32
      %dma_wait3A_21 = tpu.memref_slice %arg4[%add3A, %dma_wait3A, %dma_wait3A_20] : memref<32x79x128xi32, #tpu.memory_space<hbm>> -> memref<1x79x128xi32, #tpu.memory_space<hbm>>
      %dma_wait3A_22 = tpu.memref_squeeze %dma_wait3A_21 : memref<1x79x128xi32, #tpu.memory_space<hbm>> -> memref<79x128xi32, #tpu.memory_space<hbm>>
      %dma_wait3A_23 = arith.constant 0 : i32
      %dma_wait3A_24 = arith.constant 0 : i32
      %dma_wait3A_25 = tpu.memref_slice %arg4[%add3A, %dma_wait3A_23, %dma_wait3A_24] : memref<32x79x128xi32, #tpu.memory_space<hbm>> -> memref<1x79x128xi32, #tpu.memory_space<hbm>>
      %dma_wait3A_26 = tpu.memref_squeeze %dma_wait3A_25 : memref<1x79x128xi32, #tpu.memory_space<hbm>> -> memref<79x128xi32, #tpu.memory_space<hbm>>
      tpu.wait_dma2 semaphore(%run_scoped3A : memref<!tpu.dma_semaphore, #tpu.memory_space<semaphore_mem>>) src(%dma_wait3A_26 : memref<79x128xi32, #tpu.memory_space<hbm>>) dst(%arg8 : memref<79x128xi32, #tpu.memory_space<vmem>>)
      tpu.yield
    }) : () -> ()
    %barrier3A = arith.constant 0 : index
    tpu.barrier barrier_id(%barrier3A)
    "tpu.trace_stop"() : () -> ()
    "tpu.trace_start"() <{level = 10 : i32, message = "agg_loop"}> : () -> ()
    "tpu.region"() ({
      %run_scoped3A = tpu.sem_alloc : memref<!tpu.dma_semaphore, #tpu.memory_space<semaphore_mem>>
      %dma_start3A = arith.constant 0 : i32
      %dma_start3A_13 = arith.constant 0 : i32
      %dma_start3A_14 = tpu.memref_slice %arg3[%add3A, %dma_start3A, %dma_start3A_13] : memref<32x79x128xi32, #tpu.memory_space<hbm>> -> memref<1x79x128xi32, #tpu.memory_space<hbm>>
      %dma_start3A_15 = tpu.memref_squeeze %dma_start3A_14 : memref<1x79x128xi32, #tpu.memory_space<hbm>> -> memref<79x128xi32, #tpu.memory_space<hbm>>
      %dma_start3A_16 = arith.constant 0 : i32
      %dma_start3A_17 = arith.constant 0 : i32
      %dma_start3A_18 = tpu.memref_slice %arg3[%add3A, %dma_start3A_16, %dma_start3A_17] : memref<32x79x128xi32, #tpu.memory_space<hbm>> -> memref<1x79x128xi32, #tpu.memory_space<hbm>>
      %dma_start3A_19 = tpu.memref_squeeze %dma_start3A_18 : memref<1x79x128xi32, #tpu.memory_space<hbm>> -> memref<79x128xi32, #tpu.memory_space<hbm>>
      tpu.enqueue_dma source(%dma_start3A_19 : memref<79x128xi32, #tpu.memory_space<hbm>>) target(%arg7 : memref<79x128xi32, #tpu.memory_space<vmem>>) target_semaphore(%run_scoped3A : memref<!tpu.dma_semaphore, #tpu.memory_space<semaphore_mem>>)
      %dma_wait3A = arith.constant 0 : i32
      %dma_wait3A_20 = arith.constant 0 : i32
      %dma_wait3A_21 = tpu.memref_slice %arg3[%add3A, %dma_wait3A, %dma_wait3A_20] : memref<32x79x128xi32, #tpu.memory_space<hbm>> -> memref<1x79x128xi32, #tpu.memory_space<hbm>>
      %dma_wait3A_22 = tpu.memref_squeeze %dma_wait3A_21 : memref<1x79x128xi32, #tpu.memory_space<hbm>> -> memref<79x128xi32, #tpu.memory_space<hbm>>
      %dma_wait3A_23 = arith.constant 0 : i32
      %dma_wait3A_24 = arith.constant 0 : i32
      %dma_wait3A_25 = tpu.memref_slice %arg3[%add3A, %dma_wait3A_23, %dma_wait3A_24] : memref<32x79x128xi32, #tpu.memory_space<hbm>> -> memref<1x79x128xi32, #tpu.memory_space<hbm>>
      %dma_wait3A_26 = tpu.memref_squeeze %dma_wait3A_25 : memref<1x79x128xi32, #tpu.memory_space<hbm>> -> memref<79x128xi32, #tpu.memory_space<hbm>>
      tpu.wait_dma2 semaphore(%run_scoped3A : memref<!tpu.dma_semaphore, #tpu.memory_space<semaphore_mem>>) src(%dma_wait3A_26 : memref<79x128xi32, #tpu.memory_space<hbm>>) dst(%arg7 : memref<79x128xi32, #tpu.memory_space<vmem>>)
      tpu.yield
    }) : () -> ()
    %scan3A = arith.constant 0 : i32
    %scan3A_3 = arith.constant 0 : i32
    %scan3A_4 = arith.constant 79 : i32
    %scan3A_5 = arith.addi %scan3A_3, %scan3A_4 : i32
    %scan3A_6 = arith.constant 1 : i32
    scf.for %scan3A_13 = %scan3A_3 to %scan3A_5 step %scan3A_6  : i32 {
      %dma_start3A = arith.constant 0 : i32
      %dma_start3A_14 = tpu.memref_slice %arg7[%scan3A_13, %dma_start3A] : memref<79x128xi32, #tpu.memory_space<vmem>> -> memref<1x128xi32, #tpu.memory_space<vmem>>
      %dma_start3A_15 = tpu.memref_squeeze %dma_start3A_14 : memref<1x128xi32, #tpu.memory_space<vmem>> -> memref<128xi32, #tpu.memory_space<vmem>>
      %dma_start3A_16 = arith.constant 0 : i32
      %dma_start3A_17 = arith.constant 0 : i32
      %dma_start3A_18 = tpu.memref_slice %arg2[%dma_start3A_16, %dma_start3A_17] : memref<10240x128xf32, #tpu.memory_space<hbm>> -> memref<10240x128xf32, #tpu.memory_space<hbm>>
      tpu.enqueue_indirect_dma source(%dma_start3A_18 : memref<10240x128xf32, #tpu.memory_space<hbm>>) target(%arg9 : memref<128x128xf32, #tpu.memory_space<vmem>>) offsets(%dma_start3A_15 : memref<128xi32, #tpu.memory_space<vmem>>) semaphore(%arg11 : memref<!tpu.dma_semaphore, #tpu.memory_space<semaphore_mem>>)
      %dma_wait3A = arith.constant 0 : i32
      %dma_wait3A_19 = tpu.memref_slice %arg7[%scan3A_13, %dma_wait3A] : memref<79x128xi32, #tpu.memory_space<vmem>> -> memref<1x128xi32, #tpu.memory_space<vmem>>
      %dma_wait3A_20 = tpu.memref_squeeze %dma_wait3A_19 : memref<1x128xi32, #tpu.memory_space<vmem>> -> memref<128xi32, #tpu.memory_space<vmem>>
      %dma_wait3A_21 = arith.constant 0 : i32
      %dma_wait3A_22 = arith.constant 0 : i32
      %dma_wait3A_23 = tpu.memref_slice %arg2[%dma_wait3A_21, %dma_wait3A_22] : memref<10240x128xf32, #tpu.memory_space<hbm>> -> memref<10240x128xf32, #tpu.memory_space<hbm>>
      tpu.wait_indirect_dma semaphore(%arg11 : memref<!tpu.dma_semaphore, #tpu.memory_space<semaphore_mem>>) src(%dma_wait3A_23 : memref<10240x128xf32, #tpu.memory_space<hbm>>) dst(%arg9 : memref<128x128xf32, #tpu.memory_space<vmem>>)
      "tpu.region"() ({
        %run_scoped3A = tpu.sem_alloc : memref<!tpu.dma_semaphore, #tpu.memory_space<semaphore_mem>>
        %dma_start3A_24 = arith.constant 0 : i32
        %dma_start3A_25 = tpu.memref_slice %arg8[%scan3A_13, %dma_start3A_24] : memref<79x128xi32, #tpu.memory_space<vmem>> -> memref<1x128xi32, #tpu.memory_space<vmem>>
        %dma_start3A_26 = tpu.memref_squeeze %dma_start3A_25 : memref<1x128xi32, #tpu.memory_space<vmem>> -> memref<128xi32, #tpu.memory_space<vmem>>
        %dma_start3A_27 = arith.constant 0 : i32
        %dma_start3A_28 = arith.constant 0 : i32
        %dma_start3A_29 = tpu.memref_slice %arg10[%dma_start3A_27, %dma_start3A_28] : memref<10240x128xf32, #tpu.memory_space<vmem_shared>> -> memref<10240x128xf32, #tpu.memory_space<vmem_shared>>
        tpu.enqueue_indirect_dma source(%arg9 : memref<128x128xf32, #tpu.memory_space<vmem>>) target(%dma_start3A_29 : memref<10240x128xf32, #tpu.memory_space<vmem_shared>>) offsets(%dma_start3A_26 : memref<128xi32, #tpu.memory_space<vmem>>) semaphore(%run_scoped3A : memref<!tpu.dma_semaphore, #tpu.memory_space<semaphore_mem>>) {add = true}
        %dma_wait3A_30 = arith.constant 0 : i32
        %dma_wait3A_31 = tpu.memref_slice %arg8[%scan3A_13, %dma_wait3A_30] : memref<79x128xi32, #tpu.memory_space<vmem>> -> memref<1x128xi32, #tpu.memory_space<vmem>>
        %dma_wait3A_32 = tpu.memref_squeeze %dma_wait3A_31 : memref<1x128xi32, #tpu.memory_space<vmem>> -> memref<128xi32, #tpu.memory_space<vmem>>
        %dma_wait3A_33 = arith.constant 0 : i32
        %dma_wait3A_34 = arith.constant 0 : i32
        %dma_wait3A_35 = tpu.memref_slice %arg10[%dma_wait3A_33, %dma_wait3A_34] : memref<10240x128xf32, #tpu.memory_space<vmem_shared>> -> memref<10240x128xf32, #tpu.memory_space<vmem_shared>>
        tpu.wait_indirect_dma semaphore(%run_scoped3A : memref<!tpu.dma_semaphore, #tpu.memory_space<semaphore_mem>>) src(%arg9 : memref<128x128xf32, #tpu.memory_space<vmem>>) dst(%dma_wait3A_35 : memref<10240x128xf32, #tpu.memory_space<vmem_shared>>)
        tpu.yield
      }) : () -> ()
    }
    %scan3A_7 = arith.constant 79 : i32
    %barrier3A_8 = arith.constant 0 : index
    tpu.barrier barrier_id(%barrier3A_8)
    "tpu.trace_stop"() : () -> ()
    "tpu.trace_start"() <{level = 10 : i32, message = "agg_wb"}> : () -> ()
    %mul3A_9 = arith.constant 640 : i32
    %mul3A_10 = arith.muli %arg1, %mul3A_9 : i32
    %mul3A_11 = arith.constant 640 : i32
    %mul3A_12 = arith.muli %arg1, %mul3A_11 : i32
    "tpu.region"() ({
      %run_scoped3A = tpu.sem_alloc : memref<!tpu.dma_semaphore, #tpu.memory_space<semaphore_mem>>
      %dma_start3A = arith.constant 0 : i32
      %dma_start3A_13 = tpu.memref_slice %arg6[%arg0, %mul3A_12, %dma_start3A] : memref<2x10240x128xf32, #tpu.memory_space<hbm>> -> memref<1x640x128xf32, #tpu.memory_space<hbm>>
      %dma_start3A_14 = tpu.memref_squeeze %dma_start3A_13 : memref<1x640x128xf32, #tpu.memory_space<hbm>> -> memref<640x128xf32, #tpu.memory_space<hbm>>
      %dma_start3A_15 = arith.constant 0 : i32
      %dma_start3A_16 = tpu.memref_slice %arg10[%mul3A_10, %dma_start3A_15] : memref<10240x128xf32, #tpu.memory_space<vmem_shared>> -> memref<640x128xf32, #tpu.memory_space<vmem_shared>>
      tpu.enqueue_dma source(%dma_start3A_16 : memref<640x128xf32, #tpu.memory_space<vmem_shared>>) target(%dma_start3A_14 : memref<640x128xf32, #tpu.memory_space<hbm>>) target_semaphore(%run_scoped3A : memref<!tpu.dma_semaphore, #tpu.memory_space<semaphore_mem>>)
      %dma_wait3A = arith.constant 0 : i32
      %dma_wait3A_17 = tpu.memref_slice %arg6[%arg0, %mul3A_12, %dma_wait3A] : memref<2x10240x128xf32, #tpu.memory_space<hbm>> -> memref<1x640x128xf32, #tpu.memory_space<hbm>>
      %dma_wait3A_18 = tpu.memref_squeeze %dma_wait3A_17 : memref<1x640x128xf32, #tpu.memory_space<hbm>> -> memref<640x128xf32, #tpu.memory_space<hbm>>
      %dma_wait3A_19 = arith.constant 0 : i32
      %dma_wait3A_20 = tpu.memref_slice %arg10[%mul3A_10, %dma_wait3A_19] : memref<10240x128xf32, #tpu.memory_space<vmem_shared>> -> memref<640x128xf32, #tpu.memory_space<vmem_shared>>
      tpu.wait_dma2 semaphore(%run_scoped3A : memref<!tpu.dma_semaphore, #tpu.memory_space<semaphore_mem>>) src(%dma_wait3A_20 : memref<640x128xf32, #tpu.memory_space<vmem_shared>>) dst(%dma_wait3A_18 : memref<640x128xf32, #tpu.memory_space<hbm>>)
      tpu.yield
    }) : () -> ()
    "tpu.trace_stop"() : () -> ()
    return
  }
}

#map = affine_map<(d0, d1) -> (0, 0, 0)>
#map1 = affine_map<(d0, d1) -> (0)>
#map2 = affine_map<(d0, d1) -> (0, 0)>
module attributes {stable_mosaic.version = 14 : i64} {
  func.func @_deg_body(%arg0: i32, %arg1: i32, %arg2: memref<32x79x128xi32, #tpu.memory_space<hbm>>, %arg3: memref<10240xf32, #tpu.memory_space<hbm>>, %arg4: memref<2x10240xf32, #tpu.memory_space<hbm>>, %arg5: memref<79x128xi32, #tpu.memory_space<vmem>>, %arg6: memref<128xf32, #tpu.memory_space<vmem>>, %arg7: memref<10240xf32, #tpu.memory_space<vmem_shared>>) attributes {dimension_semantics = [#tpu.dimension_semantics<core_parallel>, #tpu.dimension_semantics<subcore_parallel>], iteration_bounds = array<i64: 2, 16>, scalar_prefetch = 0 : i64, scratch_operands = 3 : i64, tpu.core_type = #tpu.core_type<sc_vector_subcore>, window_params = [{transform_indices = #map}, {transform_indices = #map1}, {transform_indices = #map2}]} {
    %mul3A = arith.constant 2 : i32
    %mul3A_0 = arith.muli %arg1, %mul3A : i32
    %add3A = arith.addi %mul3A_0, %arg0 : i32
    %mul3A_1 = arith.constant 640 : i32
    %mul3A_2 = arith.muli %arg1, %mul3A_1 : i32
    %mul3A_3 = arith.constant 640 : i32
    %mul3A_4 = arith.muli %arg1, %mul3A_3 : i32
    "tpu.region"() ({
      %run_scoped3A = tpu.sem_alloc : memref<!tpu.dma_semaphore, #tpu.memory_space<semaphore_mem>>
      %dma_start3A = tpu.memref_slice %arg7[%mul3A_4] : memref<10240xf32, #tpu.memory_space<vmem_shared>> -> memref<640xf32, #tpu.memory_space<vmem_shared>>
      %dma_start3A_61 = tpu.memref_slice %arg3[%mul3A_2] : memref<10240xf32, #tpu.memory_space<hbm>> -> memref<640xf32, #tpu.memory_space<hbm>>
      tpu.enqueue_dma source(%dma_start3A_61 : memref<640xf32, #tpu.memory_space<hbm>>) target(%dma_start3A : memref<640xf32, #tpu.memory_space<vmem_shared>>) target_semaphore(%run_scoped3A : memref<!tpu.dma_semaphore, #tpu.memory_space<semaphore_mem>>)
      %dma_wait3A = tpu.memref_slice %arg7[%mul3A_4] : memref<10240xf32, #tpu.memory_space<vmem_shared>> -> memref<640xf32, #tpu.memory_space<vmem_shared>>
      %dma_wait3A_62 = tpu.memref_slice %arg3[%mul3A_2] : memref<10240xf32, #tpu.memory_space<hbm>> -> memref<640xf32, #tpu.memory_space<hbm>>
      tpu.wait_dma2 semaphore(%run_scoped3A : memref<!tpu.dma_semaphore, #tpu.memory_space<semaphore_mem>>) src(%dma_wait3A_62 : memref<640xf32, #tpu.memory_space<hbm>>) dst(%dma_wait3A : memref<640xf32, #tpu.memory_space<vmem_shared>>)
      tpu.yield
    }) : () -> ()
    "tpu.region"() ({
      %run_scoped3A = tpu.sem_alloc : memref<!tpu.dma_semaphore, #tpu.memory_space<semaphore_mem>>
      %dma_start3A = arith.constant 0 : i32
      %dma_start3A_61 = arith.constant 0 : i32
      %dma_start3A_62 = tpu.memref_slice %arg2[%add3A, %dma_start3A, %dma_start3A_61] : memref<32x79x128xi32, #tpu.memory_space<hbm>> -> memref<1x79x128xi32, #tpu.memory_space<hbm>>
      %dma_start3A_63 = tpu.memref_squeeze %dma_start3A_62 : memref<1x79x128xi32, #tpu.memory_space<hbm>> -> memref<79x128xi32, #tpu.memory_space<hbm>>
      %dma_start3A_64 = arith.constant 0 : i32
      %dma_start3A_65 = arith.constant 0 : i32
      %dma_start3A_66 = tpu.memref_slice %arg2[%add3A, %dma_start3A_64, %dma_start3A_65] : memref<32x79x128xi32, #tpu.memory_space<hbm>> -> memref<1x79x128xi32, #tpu.memory_space<hbm>>
      %dma_start3A_67 = tpu.memref_squeeze %dma_start3A_66 : memref<1x79x128xi32, #tpu.memory_space<hbm>> -> memref<79x128xi32, #tpu.memory_space<hbm>>
      tpu.enqueue_dma source(%dma_start3A_67 : memref<79x128xi32, #tpu.memory_space<hbm>>) target(%arg5 : memref<79x128xi32, #tpu.memory_space<vmem>>) target_semaphore(%run_scoped3A : memref<!tpu.dma_semaphore, #tpu.memory_space<semaphore_mem>>)
      %dma_wait3A = arith.constant 0 : i32
      %dma_wait3A_68 = arith.constant 0 : i32
      %dma_wait3A_69 = tpu.memref_slice %arg2[%add3A, %dma_wait3A, %dma_wait3A_68] : memref<32x79x128xi32, #tpu.memory_space<hbm>> -> memref<1x79x128xi32, #tpu.memory_space<hbm>>
      %dma_wait3A_70 = tpu.memref_squeeze %dma_wait3A_69 : memref<1x79x128xi32, #tpu.memory_space<hbm>> -> memref<79x128xi32, #tpu.memory_space<hbm>>
      %dma_wait3A_71 = arith.constant 0 : i32
      %dma_wait3A_72 = arith.constant 0 : i32
      %dma_wait3A_73 = tpu.memref_slice %arg2[%add3A, %dma_wait3A_71, %dma_wait3A_72] : memref<32x79x128xi32, #tpu.memory_space<hbm>> -> memref<1x79x128xi32, #tpu.memory_space<hbm>>
      %dma_wait3A_74 = tpu.memref_squeeze %dma_wait3A_73 : memref<1x79x128xi32, #tpu.memory_space<hbm>> -> memref<79x128xi32, #tpu.memory_space<hbm>>
      tpu.wait_dma2 semaphore(%run_scoped3A : memref<!tpu.dma_semaphore, #tpu.memory_space<semaphore_mem>>) src(%dma_wait3A_74 : memref<79x128xi32, #tpu.memory_space<hbm>>) dst(%arg5 : memref<79x128xi32, #tpu.memory_space<vmem>>)
      tpu.yield
    }) : () -> ()
    %broadcast_in_dim3A = arith.constant 1.000000e+00 : f32
    %broadcast_in_dim3A_5 = vector.broadcast %broadcast_in_dim3A : f32 to vector<16xf32>
    %swap3A = arith.constant 0 : index
    %swap3A_6 = tpu.vector_load %arg6[%swap3A] {strides = array<i32>} : memref<128xf32, #tpu.memory_space<vmem>>, vector<16xf32>,
    %swap3A_7 = vector.shape_cast %swap3A_6 : vector<16xf32> to vector<16xf32>
    %swap3A_8 = vector.shape_cast %broadcast_in_dim3A_5 : vector<16xf32> to vector<16xf32>
    tpu.vector_store %arg6[%swap3A], %swap3A_8 {strides = array<i32>} : memref<128xf32, #tpu.memory_space<vmem>>, vector<16xf32>,
    %broadcast_in_dim3A_9 = arith.constant 1.000000e+00 : f32
    %broadcast_in_dim3A_10 = vector.broadcast %broadcast_in_dim3A_9 : f32 to vector<16xf32>
    %swap3A_11 = arith.constant 16 : index
    %swap3A_12 = tpu.vector_load %arg6[%swap3A_11] {strides = array<i32>} : memref<128xf32, #tpu.memory_space<vmem>>, vector<16xf32>,
    %swap3A_13 = vector.shape_cast %swap3A_12 : vector<16xf32> to vector<16xf32>
    %swap3A_14 = vector.shape_cast %broadcast_in_dim3A_10 : vector<16xf32> to vector<16xf32>
    tpu.vector_store %arg6[%swap3A_11], %swap3A_14 {strides = array<i32>} : memref<128xf32, #tpu.memory_space<vmem>>, vector<16xf32>,
    %broadcast_in_dim3A_15 = arith.constant 1.000000e+00 : f32
    %broadcast_in_dim3A_16 = vector.broadcast %broadcast_in_dim3A_15 : f32 to vector<16xf32>
    %swap3A_17 = arith.constant 32 : index
    %swap3A_18 = tpu.vector_load %arg6[%swap3A_17] {strides = array<i32>} : memref<128xf32, #tpu.memory_space<vmem>>, vector<16xf32>,
    %swap3A_19 = vector.shape_cast %swap3A_18 : vector<16xf32> to vector<16xf32>
    %swap3A_20 = vector.shape_cast %broadcast_in_dim3A_16 : vector<16xf32> to vector<16xf32>
    tpu.vector_store %arg6[%swap3A_17], %swap3A_20 {strides = array<i32>} : memref<128xf32, #tpu.memory_space<vmem>>, vector<16xf32>,
    %broadcast_in_dim3A_21 = arith.constant 1.000000e+00 : f32
    %broadcast_in_dim3A_22 = vector.broadcast %broadcast_in_dim3A_21 : f32 to vector<16xf32>
    %swap3A_23 = arith.constant 48 : index
    %swap3A_24 = tpu.vector_load %arg6[%swap3A_23] {strides = array<i32>} : memref<128xf32, #tpu.memory_space<vmem>>, vector<16xf32>,
    %swap3A_25 = vector.shape_cast %swap3A_24 : vector<16xf32> to vector<16xf32>
    %swap3A_26 = vector.shape_cast %broadcast_in_dim3A_22 : vector<16xf32> to vector<16xf32>
    tpu.vector_store %arg6[%swap3A_23], %swap3A_26 {strides = array<i32>} : memref<128xf32, #tpu.memory_space<vmem>>, vector<16xf32>,
    %broadcast_in_dim3A_27 = arith.constant 1.000000e+00 : f32
    %broadcast_in_dim3A_28 = vector.broadcast %broadcast_in_dim3A_27 : f32 to vector<16xf32>
    %swap3A_29 = arith.constant 64 : index
    %swap3A_30 = tpu.vector_load %arg6[%swap3A_29] {strides = array<i32>} : memref<128xf32, #tpu.memory_space<vmem>>, vector<16xf32>,
    %swap3A_31 = vector.shape_cast %swap3A_30 : vector<16xf32> to vector<16xf32>
    %swap3A_32 = vector.shape_cast %broadcast_in_dim3A_28 : vector<16xf32> to vector<16xf32>
    tpu.vector_store %arg6[%swap3A_29], %swap3A_32 {strides = array<i32>} : memref<128xf32, #tpu.memory_space<vmem>>, vector<16xf32>,
    %broadcast_in_dim3A_33 = arith.constant 1.000000e+00 : f32
    %broadcast_in_dim3A_34 = vector.broadcast %broadcast_in_dim3A_33 : f32 to vector<16xf32>
    %swap3A_35 = arith.constant 80 : index
    %swap3A_36 = tpu.vector_load %arg6[%swap3A_35] {strides = array<i32>} : memref<128xf32, #tpu.memory_space<vmem>>, vector<16xf32>,
    %swap3A_37 = vector.shape_cast %swap3A_36 : vector<16xf32> to vector<16xf32>
    %swap3A_38 = vector.shape_cast %broadcast_in_dim3A_34 : vector<16xf32> to vector<16xf32>
    tpu.vector_store %arg6[%swap3A_35], %swap3A_38 {strides = array<i32>} : memref<128xf32, #tpu.memory_space<vmem>>, vector<16xf32>,
    %broadcast_in_dim3A_39 = arith.constant 1.000000e+00 : f32
    %broadcast_in_dim3A_40 = vector.broadcast %broadcast_in_dim3A_39 : f32 to vector<16xf32>
    %swap3A_41 = arith.constant 96 : index
    %swap3A_42 = tpu.vector_load %arg6[%swap3A_41] {strides = array<i32>} : memref<128xf32, #tpu.memory_space<vmem>>, vector<16xf32>,
    %swap3A_43 = vector.shape_cast %swap3A_42 : vector<16xf32> to vector<16xf32>
    %swap3A_44 = vector.shape_cast %broadcast_in_dim3A_40 : vector<16xf32> to vector<16xf32>
    tpu.vector_store %arg6[%swap3A_41], %swap3A_44 {strides = array<i32>} : memref<128xf32, #tpu.memory_space<vmem>>, vector<16xf32>,
    %broadcast_in_dim3A_45 = arith.constant 1.000000e+00 : f32
    %broadcast_in_dim3A_46 = vector.broadcast %broadcast_in_dim3A_45 : f32 to vector<16xf32>
    %swap3A_47 = arith.constant 112 : index
    %swap3A_48 = tpu.vector_load %arg6[%swap3A_47] {strides = array<i32>} : memref<128xf32, #tpu.memory_space<vmem>>, vector<16xf32>,
    %swap3A_49 = vector.shape_cast %swap3A_48 : vector<16xf32> to vector<16xf32>
    %swap3A_50 = vector.shape_cast %broadcast_in_dim3A_46 : vector<16xf32> to vector<16xf32>
    tpu.vector_store %arg6[%swap3A_47], %swap3A_50 {strides = array<i32>} : memref<128xf32, #tpu.memory_space<vmem>>, vector<16xf32>,
    %barrier3A = arith.constant 0 : index
    tpu.barrier barrier_id(%barrier3A)
    %scan3A = arith.constant 0 : i32
    %scan3A_51 = arith.constant 0 : i32
    %scan3A_52 = arith.constant 79 : i32
    %scan3A_53 = arith.addi %scan3A_51, %scan3A_52 : i32
    %scan3A_54 = arith.constant 1 : i32
    scf.for %scan3A_61 = %scan3A_51 to %scan3A_53 step %scan3A_54  : i32 {
      "tpu.region"() ({
        %run_scoped3A = tpu.sem_alloc : memref<!tpu.dma_semaphore, #tpu.memory_space<semaphore_mem>>
        %dma_start3A = arith.constant 0 : i32
        %dma_start3A_62 = tpu.memref_slice %arg5[%scan3A_61, %dma_start3A] : memref<79x128xi32, #tpu.memory_space<vmem>> -> memref<1x128xi32, #tpu.memory_space<vmem>>
        %dma_start3A_63 = tpu.memref_squeeze %dma_start3A_62 : memref<1x128xi32, #tpu.memory_space<vmem>> -> memref<128xi32, #tpu.memory_space<vmem>>
        %dma_start3A_64 = arith.constant 0 : i32
        %dma_start3A_65 = tpu.memref_slice %arg7[%dma_start3A_64] : memref<10240xf32, #tpu.memory_space<vmem_shared>> -> memref<10240xf32, #tpu.memory_space<vmem_shared>>
        tpu.enqueue_indirect_dma source(%arg6 : memref<128xf32, #tpu.memory_space<vmem>>) target(%dma_start3A_65 : memref<10240xf32, #tpu.memory_space<vmem_shared>>) offsets(%dma_start3A_63 : memref<128xi32, #tpu.memory_space<vmem>>) semaphore(%run_scoped3A : memref<!tpu.dma_semaphore, #tpu.memory_space<semaphore_mem>>) {add = true}
        %dma_wait3A = arith.constant 0 : i32
        %dma_wait3A_66 = tpu.memref_slice %arg5[%scan3A_61, %dma_wait3A] : memref<79x128xi32, #tpu.memory_space<vmem>> -> memref<1x128xi32, #tpu.memory_space<vmem>>
        %dma_wait3A_67 = tpu.memref_squeeze %dma_wait3A_66 : memref<1x128xi32, #tpu.memory_space<vmem>> -> memref<128xi32, #tpu.memory_space<vmem>>
        %dma_wait3A_68 = arith.constant 0 : i32
        %dma_wait3A_69 = tpu.memref_slice %arg7[%dma_wait3A_68] : memref<10240xf32, #tpu.memory_space<vmem_shared>> -> memref<10240xf32, #tpu.memory_space<vmem_shared>>
        tpu.wait_indirect_dma semaphore(%run_scoped3A : memref<!tpu.dma_semaphore, #tpu.memory_space<semaphore_mem>>) src(%arg6 : memref<128xf32, #tpu.memory_space<vmem>>) dst(%dma_wait3A_69 : memref<10240xf32, #tpu.memory_space<vmem_shared>>)
        tpu.yield
      }) : () -> ()
    }
    %scan3A_55 = arith.constant 79 : i32
    %barrier3A_56 = arith.constant 0 : index
    tpu.barrier barrier_id(%barrier3A_56)
    %mul3A_57 = arith.constant 640 : i32
    %mul3A_58 = arith.muli %arg1, %mul3A_57 : i32
    %mul3A_59 = arith.constant 640 : i32
    %mul3A_60 = arith.muli %arg1, %mul3A_59 : i32
    "tpu.region"() ({
      %run_scoped3A = tpu.sem_alloc : memref<!tpu.dma_semaphore, #tpu.memory_space<semaphore_mem>>
      %dma_start3A = tpu.memref_slice %arg4[%arg0, %mul3A_60] : memref<2x10240xf32, #tpu.memory_space<hbm>> -> memref<1x640xf32, #tpu.memory_space<hbm>>
      %dma_start3A_61 = tpu.memref_squeeze %dma_start3A : memref<1x640xf32, #tpu.memory_space<hbm>> -> memref<640xf32, #tpu.memory_space<hbm>>
      %dma_start3A_62 = tpu.memref_slice %arg7[%mul3A_58] : memref<10240xf32, #tpu.memory_space<vmem_shared>> -> memref<640xf32, #tpu.memory_space<vmem_shared>>
      tpu.enqueue_dma source(%dma_start3A_62 : memref<640xf32, #tpu.memory_space<vmem_shared>>) target(%dma_start3A_61 : memref<640xf32, #tpu.memory_space<hbm>>) target_semaphore(%run_scoped3A : memref<!tpu.dma_semaphore, #tpu.memory_space<semaphore_mem>>)
      %dma_wait3A = tpu.memref_slice %arg4[%arg0, %mul3A_60] : memref<2x10240xf32, #tpu.memory_space<hbm>> -> memref<1x640xf32, #tpu.memory_space<hbm>>
      %dma_wait3A_63 = tpu.memref_squeeze %dma_wait3A : memref<1x640xf32, #tpu.memory_space<hbm>> -> memref<640xf32, #tpu.memory_space<hbm>>
      %dma_wait3A_64 = tpu.memref_slice %arg7[%mul3A_58] : memref<10240xf32, #tpu.memory_space<vmem_shared>> -> memref<640xf32, #tpu.memory_space<vmem_shared>>
      tpu.wait_dma2 semaphore(%run_scoped3A : memref<!tpu.dma_semaphore, #tpu.memory_space<semaphore_mem>>) src(%dma_wait3A_64 : memref<640xf32, #tpu.memory_space<vmem_shared>>) dst(%dma_wait3A_63 : memref<640xf32, #tpu.memory_space<hbm>>)
      tpu.yield
    }) : () -> ()
    return
  }
}

module attributes {stable_mosaic.version = 14 : i64} {
  func.func @_k1_body(%arg0: i32, %arg1: memref<1024x128xf32, #tpu.memory_space<vmem>>, %arg2: memref<128x128xf32, #tpu.memory_space<vmem>>, %arg3: memref<2x1024xf32, #tpu.memory_space<vmem>>, %arg4: memref<1024x128xf32, #tpu.memory_space<vmem>>, %arg5: memref<1024xf32, #tpu.memory_space<vmem>>) attributes {dimension_semantics = [#tpu.dimension_semantics<arbitrary>], iteration_bounds = array<i64: 10>, scalar_prefetch = 0 : i64, scratch_operands = 0 : i64, tpu.core_type = #tpu.core_type<tc>, window_params = [{transform_indices = @transform_0, window_bounds = array<i64: 1024, 128>}, {pipeline_mode = #tpu.pipeline_mode<synchronous>, transform_indices = @transform_1, window_bounds = array<i64: 128, 128>}, {transform_indices = @transform_2, window_bounds = array<i64: 2, 1024>}, {transform_indices = @transform_3, window_bounds = array<i64: 1024, 128>}, {transform_indices = @transform_4, window_bounds = array<i64: 1024>}]} {
    %get3A = arith.constant 0 : index
    %get3A_0 = arith.constant 0 : index
    %get3A_1 = vector.load %arg3[%get3A, %get3A_0] : memref<2x1024xf32, #tpu.memory_space<vmem>>, vector<1x1024xf32>
    %get3A_2 = vector.shape_cast %get3A_1 : vector<1x1024xf32> to vector<1024xf32>
    %get3A_3 = arith.constant 1 : index
    %get3A_4 = arith.constant 0 : index
    %get3A_5 = vector.load %arg3[%get3A_3, %get3A_4] : memref<2x1024xf32, #tpu.memory_space<vmem>>, vector<1x1024xf32>
    %get3A_6 = vector.shape_cast %get3A_5 : vector<1x1024xf32> to vector<1024xf32>
    %add3A = arith.addf %get3A_2, %get3A_6 : vector<1024xf32>
    %add3A_7 = arith.constant 1.000000e+00 : f32
    %add3A_8 = vector.broadcast %add3A_7 : f32 to vector<1024xf32>
    %add3A_9 = arith.addf %add3A, %add3A_8 : vector<1024xf32>
    %rsqrt3A = math.rsqrt %add3A_9 : vector<1024xf32>
    %swap3A = arith.constant 0 : index
    %swap3A_10 = vector.load %arg5[%swap3A] : memref<1024xf32, #tpu.memory_space<vmem>>, vector<1024xf32>
    tpu.vector_store %arg5[%swap3A], %rsqrt3A {strides = array<i32>} : memref<1024xf32, #tpu.memory_space<vmem>>, vector<1024xf32>,
    %get3A_11 = arith.constant 0 : index
    %get3A_12 = arith.constant 0 : index
    %get3A_13 = vector.load %arg1[%get3A_11, %get3A_12] : memref<1024x128xf32, #tpu.memory_space<vmem>>, vector<1024x128xf32>
    %get3A_14 = arith.constant 0 : index
    %get3A_15 = arith.constant 0 : index
    %get3A_16 = vector.load %arg2[%get3A_14, %get3A_15] : memref<128x128xf32, #tpu.memory_space<vmem>>, vector<128x128xf32>
    %dot_general3A = arith.constant dense<0.000000e+00> : vector<1024x128xf32>
    %dot_general3A_17 = tpu.matmul %get3A_13, %get3A_16, %dot_general3A {dimension_numbers = #tpu.dot_dimension_numbers<[1], [0], [0], [1], [0, 0, 1, 1], [], []>, transpose_lhs_hint = false} : vector<1024x128xf32>, vector<128x128xf32>, vector<1024x128xf32> -> vector<1024x128xf32>
    %broadcast_in_dim3A = vector.shape_cast %rsqrt3A : vector<1024xf32> to vector<1024x1xf32>
    %mul3A = vector.broadcast %broadcast_in_dim3A : vector<1024x1xf32> to vector<1024x128xf32>
    %mul3A_18 = arith.mulf %dot_general3A_17, %mul3A : vector<1024x128xf32>
    %swap3A_19 = arith.constant 0 : index
    %swap3A_20 = arith.constant 0 : index
    %swap3A_21 = vector.load %arg4[%swap3A_19, %swap3A_20] : memref<1024x128xf32, #tpu.memory_space<vmem>>, vector<1024x128xf32>
    tpu.vector_store %arg4[%swap3A_19, %swap3A_20], %mul3A_18 {strides = array<i32>} : memref<1024x128xf32, #tpu.memory_space<vmem>>, vector<1024x128xf32>,
    return
  }
  func.func @transform_0(%arg0: i32) -> (i32, i32) {
    %c0_i32 = arith.constant 0 : i32
    %c0_i32_0 = arith.constant 0 : i32
    return %arg0, %c0_i32 : i32, i32
  }
  func.func @transform_1(%arg0: i32) -> (i32, i32) {
    %c0_i32 = arith.constant 0 : i32
    %c0_i32_0 = arith.constant 0 : i32
    %c0_i32_1 = arith.constant 0 : i32
    return %c0_i32, %c0_i32_0 : i32, i32
  }
  func.func @transform_2(%arg0: i32) -> (i32, i32) {
    %c0_i32 = arith.constant 0 : i32
    %c0_i32_0 = arith.constant 0 : i32
    return %c0_i32, %arg0 : i32, i32
  }
  func.func @transform_3(%arg0: i32) -> (i32, i32) {
    %c0_i32 = arith.constant 0 : i32
    %c0_i32_0 = arith.constant 0 : i32
    return %arg0, %c0_i32 : i32, i32
  }
  func.func @transform_4(%arg0: i32) -> i32 {
    %c0_i32 = arith.constant 0 : i32
    return %arg0 : i32
  }
}

module attributes {stable_mosaic.version = 14 : i64} {
  func.func @_k2_body(%arg0: i32, %arg1: memref<2x1024x128xf32, #tpu.memory_space<vmem>>, %arg2: memref<1024x128xf32, #tpu.memory_space<vmem>>, %arg3: memref<1024xf32, #tpu.memory_space<vmem>>, %arg4: memref<128x128xf32, #tpu.memory_space<vmem>>, %arg5: memref<1x128xf32, #tpu.memory_space<vmem>>, %arg6: memref<1x128xf32, #tpu.memory_space<vmem>>, %arg7: memref<1024x128xf32, #tpu.memory_space<vmem>>) attributes {dimension_semantics = [#tpu.dimension_semantics<arbitrary>], iteration_bounds = array<i64: 10>, scalar_prefetch = 0 : i64, scratch_operands = 0 : i64, tpu.core_type = #tpu.core_type<tc>, window_params = [{transform_indices = @transform_0, window_bounds = array<i64: 2, 1024, 128>}, {transform_indices = @transform_1, window_bounds = array<i64: 1024, 128>}, {transform_indices = @transform_2, window_bounds = array<i64: 1024>}, {pipeline_mode = #tpu.pipeline_mode<synchronous>, transform_indices = @transform_3, window_bounds = array<i64: 128, 128>}, {pipeline_mode = #tpu.pipeline_mode<synchronous>, transform_indices = @transform_4, window_bounds = array<i64: 1, 128>}, {pipeline_mode = #tpu.pipeline_mode<synchronous>, transform_indices = @transform_5, window_bounds = array<i64: 1, 128>}, {transform_indices = @transform_6, window_bounds = array<i64: 1024, 128>}]} {
    %get3A = arith.constant 0 : index
    %get3A_0 = vector.load %arg3[%get3A] : memref<1024xf32, #tpu.memory_space<vmem>>, vector<1024xf32>
    %broadcast_in_dim3A = vector.shape_cast %get3A_0 : vector<1024xf32> to vector<1024x1xf32>
    %get3A_1 = arith.constant 0 : index
    %get3A_2 = arith.constant 0 : index
    %get3A_3 = arith.constant 0 : index
    %get3A_4 = vector.load %arg1[%get3A_1, %get3A_2, %get3A_3] : memref<2x1024x128xf32, #tpu.memory_space<vmem>>, vector<1x1024x128xf32>
    %get3A_5 = vector.shape_cast %get3A_4 : vector<1x1024x128xf32> to vector<1024x128xf32>
    %get3A_6 = arith.constant 1 : index
    %get3A_7 = arith.constant 0 : index
    %get3A_8 = arith.constant 0 : index
    %get3A_9 = vector.load %arg1[%get3A_6, %get3A_7, %get3A_8] : memref<2x1024x128xf32, #tpu.memory_space<vmem>>, vector<1x1024x128xf32>
    %get3A_10 = vector.shape_cast %get3A_9 : vector<1x1024x128xf32> to vector<1024x128xf32>
    %add3A = arith.addf %get3A_5, %get3A_10 : vector<1024x128xf32>
    %get3A_11 = arith.constant 0 : index
    %get3A_12 = arith.constant 0 : index
    %get3A_13 = vector.load %arg2[%get3A_11, %get3A_12] : memref<1024x128xf32, #tpu.memory_space<vmem>>, vector<1024x128xf32>
    %add3A_14 = arith.addf %add3A, %get3A_13 : vector<1024x128xf32>
    %mul3A = vector.broadcast %broadcast_in_dim3A : vector<1024x1xf32> to vector<1024x128xf32>
    %mul3A_15 = arith.mulf %add3A_14, %mul3A : vector<1024x128xf32>
    %get3A_16 = arith.constant 0 : index
    %get3A_17 = arith.constant 0 : index
    %get3A_18 = vector.load %arg5[%get3A_16, %get3A_17] : memref<1x128xf32, #tpu.memory_space<vmem>>, vector<1x128xf32>
    %add3A_19 = vector.broadcast %get3A_18 : vector<1x128xf32> to vector<1024x128xf32>
    %add3A_20 = arith.addf %mul3A_15, %add3A_19 : vector<1024x128xf32>
    %ge3A = arith.constant 0.000000e+00 : f32
    %ge3A_21 = vector.broadcast %ge3A : f32 to vector<1024x128xf32>
    %ge3A_22 = arith.cmpf oge, %add3A_20, %ge3A_21 : vector<1024x128xf32>
    %get3A_23 = arith.constant 0 : index
    %get3A_24 = arith.constant 0 : index
    %get3A_25 = vector.load %arg6[%get3A_23, %get3A_24] : memref<1x128xf32, #tpu.memory_space<vmem>>, vector<1x128xf32>
    %mul3A_26 = vector.broadcast %get3A_25 : vector<1x128xf32> to vector<1024x128xf32>
    %mul3A_27 = arith.mulf %mul3A_26, %add3A_20 : vector<1024x128xf32>
    %select_n3A = arith.select %ge3A_22, %add3A_20, %mul3A_27 : vector<1024x128xi1>, vector<1024x128xf32>
    %get3A_28 = arith.constant 0 : index
    %get3A_29 = arith.constant 0 : index
    %get3A_30 = vector.load %arg4[%get3A_28, %get3A_29] : memref<128x128xf32, #tpu.memory_space<vmem>>, vector<128x128xf32>
    %dot_general3A = arith.constant dense<0.000000e+00> : vector<1024x128xf32>
    %dot_general3A_31 = tpu.matmul %select_n3A, %get3A_30, %dot_general3A {dimension_numbers = #tpu.dot_dimension_numbers<[1], [0], [0], [1], [0, 0, 1, 1], [], []>, transpose_lhs_hint = false} : vector<1024x128xf32>, vector<128x128xf32>, vector<1024x128xf32> -> vector<1024x128xf32>
    %mul3A_32 = vector.broadcast %broadcast_in_dim3A : vector<1024x1xf32> to vector<1024x128xf32>
    %mul3A_33 = arith.mulf %dot_general3A_31, %mul3A_32 : vector<1024x128xf32>
    %swap3A = arith.constant 0 : index
    %swap3A_34 = arith.constant 0 : index
    %swap3A_35 = vector.load %arg7[%swap3A, %swap3A_34] : memref<1024x128xf32, #tpu.memory_space<vmem>>, vector<1024x128xf32>
    tpu.vector_store %arg7[%swap3A, %swap3A_34], %mul3A_33 {strides = array<i32>} : memref<1024x128xf32, #tpu.memory_space<vmem>>, vector<1024x128xf32>,
    return
  }
  func.func @transform_0(%arg0: i32) -> (i32, i32, i32) {
    %c0_i32 = arith.constant 0 : i32
    %c0_i32_0 = arith.constant 0 : i32
    %c0_i32_1 = arith.constant 0 : i32
    return %c0_i32, %arg0, %c0_i32_0 : i32, i32, i32
  }
  func.func @transform_1(%arg0: i32) -> (i32, i32) {
    %c0_i32 = arith.constant 0 : i32
    %c0_i32_0 = arith.constant 0 : i32
    return %arg0, %c0_i32 : i32, i32
  }
  func.func @transform_2(%arg0: i32) -> i32 {
    %c0_i32 = arith.constant 0 : i32
    return %arg0 : i32
  }
  func.func @transform_3(%arg0: i32) -> (i32, i32) {
    %c0_i32 = arith.constant 0 : i32
    %c0_i32_0 = arith.constant 0 : i32
    %c0_i32_1 = arith.constant 0 : i32
    return %c0_i32, %c0_i32_0 : i32, i32
  }
  func.func @transform_4(%arg0: i32) -> (i32, i32) {
    %c0_i32 = arith.constant 0 : i32
    %c0_i32_0 = arith.constant 0 : i32
    %c0_i32_1 = arith.constant 0 : i32
    return %c0_i32, %c0_i32_0 : i32, i32
  }
  func.func @transform_5(%arg0: i32) -> (i32, i32) {
    %c0_i32 = arith.constant 0 : i32
    %c0_i32_0 = arith.constant 0 : i32
    %c0_i32_1 = arith.constant 0 : i32
    return %c0_i32, %c0_i32_0 : i32, i32
  }
  func.func @transform_6(%arg0: i32) -> (i32, i32) {
    %c0_i32 = arith.constant 0 : i32
    %c0_i32_0 = arith.constant 0 : i32
    return %arg0, %c0_i32 : i32, i32
  }
}

module attributes {stable_mosaic.version = 14 : i64} {
  func.func @_k3_body(%arg0: i32, %arg1: memref<2x1024x128xf32, #tpu.memory_space<vmem>>, %arg2: memref<1024x128xf32, #tpu.memory_space<vmem>>, %arg3: memref<1024xf32, #tpu.memory_space<vmem>>, %arg4: memref<1x128xf32, #tpu.memory_space<vmem>>, %arg5: memref<1x128xf32, #tpu.memory_space<vmem>>, %arg6: memref<1024x128xf32, #tpu.memory_space<vmem>>) attributes {dimension_semantics = [#tpu.dimension_semantics<arbitrary>], iteration_bounds = array<i64: 10>, scalar_prefetch = 0 : i64, scratch_operands = 0 : i64, tpu.core_type = #tpu.core_type<tc>, window_params = [{transform_indices = @transform_0, window_bounds = array<i64: 2, 1024, 128>}, {transform_indices = @transform_1, window_bounds = array<i64: 1024, 128>}, {transform_indices = @transform_2, window_bounds = array<i64: 1024>}, {pipeline_mode = #tpu.pipeline_mode<synchronous>, transform_indices = @transform_3, window_bounds = array<i64: 1, 128>}, {pipeline_mode = #tpu.pipeline_mode<synchronous>, transform_indices = @transform_4, window_bounds = array<i64: 1, 128>}, {transform_indices = @transform_5, window_bounds = array<i64: 1024, 128>}]} {
    %get3A = arith.constant 0 : index
    %get3A_0 = vector.load %arg3[%get3A] : memref<1024xf32, #tpu.memory_space<vmem>>, vector<1024xf32>
    %broadcast_in_dim3A = vector.shape_cast %get3A_0 : vector<1024xf32> to vector<1024x1xf32>
    %get3A_1 = arith.constant 0 : index
    %get3A_2 = arith.constant 0 : index
    %get3A_3 = arith.constant 0 : index
    %get3A_4 = vector.load %arg1[%get3A_1, %get3A_2, %get3A_3] : memref<2x1024x128xf32, #tpu.memory_space<vmem>>, vector<1x1024x128xf32>
    %get3A_5 = vector.shape_cast %get3A_4 : vector<1x1024x128xf32> to vector<1024x128xf32>
    %get3A_6 = arith.constant 1 : index
    %get3A_7 = arith.constant 0 : index
    %get3A_8 = arith.constant 0 : index
    %get3A_9 = vector.load %arg1[%get3A_6, %get3A_7, %get3A_8] : memref<2x1024x128xf32, #tpu.memory_space<vmem>>, vector<1x1024x128xf32>
    %get3A_10 = vector.shape_cast %get3A_9 : vector<1x1024x128xf32> to vector<1024x128xf32>
    %add3A = arith.addf %get3A_5, %get3A_10 : vector<1024x128xf32>
    %get3A_11 = arith.constant 0 : index
    %get3A_12 = arith.constant 0 : index
    %get3A_13 = vector.load %arg2[%get3A_11, %get3A_12] : memref<1024x128xf32, #tpu.memory_space<vmem>>, vector<1024x128xf32>
    %add3A_14 = arith.addf %add3A, %get3A_13 : vector<1024x128xf32>
    %mul3A = vector.broadcast %broadcast_in_dim3A : vector<1024x1xf32> to vector<1024x128xf32>
    %mul3A_15 = arith.mulf %add3A_14, %mul3A : vector<1024x128xf32>
    %get3A_16 = arith.constant 0 : index
    %get3A_17 = arith.constant 0 : index
    %get3A_18 = vector.load %arg4[%get3A_16, %get3A_17] : memref<1x128xf32, #tpu.memory_space<vmem>>, vector<1x128xf32>
    %add3A_19 = vector.broadcast %get3A_18 : vector<1x128xf32> to vector<1024x128xf32>
    %add3A_20 = arith.addf %mul3A_15, %add3A_19 : vector<1024x128xf32>
    %ge3A = arith.constant 0.000000e+00 : f32
    %ge3A_21 = vector.broadcast %ge3A : f32 to vector<1024x128xf32>
    %ge3A_22 = arith.cmpf oge, %add3A_20, %ge3A_21 : vector<1024x128xf32>
    %get3A_23 = arith.constant 0 : index
    %get3A_24 = arith.constant 0 : index
    %get3A_25 = vector.load %arg5[%get3A_23, %get3A_24] : memref<1x128xf32, #tpu.memory_space<vmem>>, vector<1x128xf32>
    %mul3A_26 = vector.broadcast %get3A_25 : vector<1x128xf32> to vector<1024x128xf32>
    %mul3A_27 = arith.mulf %mul3A_26, %add3A_20 : vector<1024x128xf32>
    %select_n3A = arith.select %ge3A_22, %add3A_20, %mul3A_27 : vector<1024x128xi1>, vector<1024x128xf32>
    %swap3A = arith.constant 0 : index
    %swap3A_28 = arith.constant 0 : index
    %swap3A_29 = vector.load %arg6[%swap3A, %swap3A_28] : memref<1024x128xf32, #tpu.memory_space<vmem>>, vector<1024x128xf32>
    tpu.vector_store %arg6[%swap3A, %swap3A_28], %select_n3A {strides = array<i32>} : memref<1024x128xf32, #tpu.memory_space<vmem>>, vector<1024x128xf32>,
    return
  }
  func.func @transform_0(%arg0: i32) -> (i32, i32, i32) {
    %c0_i32 = arith.constant 0 : i32
    %c0_i32_0 = arith.constant 0 : i32
    %c0_i32_1 = arith.constant 0 : i32
    return %c0_i32, %arg0, %c0_i32_0 : i32, i32, i32
  }
  func.func @transform_1(%arg0: i32) -> (i32, i32) {
    %c0_i32 = arith.constant 0 : i32
    %c0_i32_0 = arith.constant 0 : i32
    return %arg0, %c0_i32 : i32, i32
  }
  func.func @transform_2(%arg0: i32) -> i32 {
    %c0_i32 = arith.constant 0 : i32
    return %arg0 : i32
  }
  func.func @transform_3(%arg0: i32) -> (i32, i32) {
    %c0_i32 = arith.constant 0 : i32
    %c0_i32_0 = arith.constant 0 : i32
    %c0_i32_1 = arith.constant 0 : i32
    return %c0_i32, %c0_i32_0 : i32, i32
  }
  func.func @transform_4(%arg0: i32) -> (i32, i32) {
    %c0_i32 = arith.constant 0 : i32
    %c0_i32_0 = arith.constant 0 : i32
    %c0_i32_1 = arith.constant 0 : i32
    return %c0_i32, %c0_i32_0 : i32, i32
  }
  func.func @transform_5(%arg0: i32) -> (i32, i32) {
    %c0_i32 = arith.constant 0 : i32
    %c0_i32_0 = arith.constant 0 : i32
    return %arg0, %c0_i32 : i32, i32
  }
}

</mosaic_0001>

<sc_bundles>
// kernel: kernel.11.cloned.1.call-start
scs
__scs_entry_jumppad:
0x0: {  	(pc) =	sbr.rel $0x88, $3  }
0x1: {  	(tag) =	ssettag $0x0;
	lr =	simm.s32 $0x1  }
0x2: {  	[smem:$0x3F99] =	sst lr;
	_ =	strace $0xD0000000  }
0x3: {  	_ = 	snop  }
0x4: {  	_ = 	snop  }
0x5: {  	_ = 	snop  }
0x6: {  	_ = 	snop  }
0x7: {  	_ = 	snop  }
__scs_overlays_trampoline_lowered:
0x8: {  	[smem:$0x3FA8] =	sst s0  }
0x9: {  	[smem:$0x3FA9] =	sst s1  }
0xa: {  	[smem:$0x3FAA] =	sst s2  }
0xb: {  	[smem:$0x3FAB] =	sst s3  }
0xc: {  	[smem:$0x3FAC] =	sst s4  }
0xd: {  	[smem:$0x3FAD] =	sst s5  }
0xe: {  	[smem:$0x3FAE] =	sst s6  }
0xf: {  	[smem:$0x3FAF] =	sst s7  }
0x10: {  	[smem:$0x3FB0] =	sst s8  }
0x11: {  	[smem:$0x3FB1] =	sst s9;
	s0 =	simm.s32 @!p0 $0x0  }
0x12: {  	s1 =	sld [smem:$0x3F97];
	s0 =	simm.s32 @p0 $0x1  }
0x13: {  	[smem:$0x3FB2] =	sst s0;
	s0 =	simm.s32 @!p1 $0x0  }
0x14: {  	s2 =	sld [smem:$0x3F96];
	s0 =	simm.s32 @p1 $0x1  }
0x15: {  	[smem:$0x3FB3] =	sst s0;
	s0 =	simm.s32 @!p2 $0x0  }
0x16: {  	s3 =	sld [smem:$0x3FDB];
	s0 =	simm.s32 @p2 $0x1  }
0x17: {  	s4 =	simm.s32 $0x1BF5;
	[smem:$0x3FB5] =	sst s0  }
0x18: {  	s0 =	sld [smem:$0x3F98];
	_ =	swait.ge [sflag:s4], $0x0  }
0x19: {  	s7 =	sld [smem:$0x3F99]  }
0x1a: {  	s8 =	sadd.s32 $0xFFFFE003, lr  }
0x1b: {  	s9 =	sadd.s32 $0xFFFFFEF7, lr;
	s5 =	simm.s32 $0xFFFFFFFF;
	p2 =	slt.u32 s8, $0xFFFFF086  }
0x1c: {  	p1 =	slt.u32 s9, $0xF7A;
	s5 =	simm.s32 @!p2 $0x0  }
0x1d: {  	s5 =	simm.s32 @p1 $0x1;
	p0 =	seq.s32 s7, s2  }
0x1e: {  	s7 =	smul.u32 @!p0 $0xF7A, s2;
	p2 =	seq.s32 @!p0 s5, $0x0  }
0x1f: {  	s9 =	smul.u32 $0xF7A, s1;
	s8 =	simm.s32 @!p0 $0x1BF5;
	p2 =	por !p2, p0  }
0x20: {  	[sflag:s8] =	ssyncset.s32 @!p0 $0xFFFFF086;
	s6 =	sadd.s32 @!p0 s3, s7;
	s7 =	simm.s32 @!p0 $0x108  }
0x21: {  	s3 =	sadd.s32 s3, s9;
	s6 =	sadd.s32 @!p0 $0x88, s6;
	s7 =	simm.s32 @p2 $0x1082  }
0x22: {  	[simem:s7], [sflag:s8] =	dma.local @!p0 [hbm:s6], $0xF7A  }
0x23: {  	s9 =	sor.u32 $0xD0000000, s2;
	s6 =	simm.s32 $0x108;
	_ =	swait.ge @!p0 [sflag:s8], $0x0  }
0x24: {  	s3 =	sadd.s32 $0x88, s3;
	s6 =	simm.s32 @!p1 $0x1082;
	[sflag:s4] =	ssyncset.s32 $0xFFFFF086  }
0x25: {  	[simem:s6], [sflag:s4] =	dma.local [hbm:s3], $0xF7A  }
0x26: {  	[smem:$0x3F99] =	sst s1;
	(tag) =	ssettag s2;
	_ =	strace s9  }
0x27: {  	s1 =	sld [smem:$0x3FA9]  }
0x28: {  	s2 =	sld [smem:$0x3FAA]  }
0x29: {  	s4 =	sld [smem:$0x3FAC]  }
0x2a: {  	p0 =	seq.s32 s5, $0x0;
	s5 =	sld [smem:$0x3FAD]  }
0x2b: {  	s6 =	sld [smem:$0x3FAE]  }
0x2c: {  	s7 =	sld [smem:$0x3FAF]  }
0x2d: {  	s3 =	simm.s32 $0x108;
	s8 =	sld [smem:$0x3FB0]  }
0x2e: {  	s3 =	simm.s32 @!p0 $0x1082;
	s9 =	sld [smem:$0x3FB1]  }
0x2f: {  	lr =	sadd.s32 s0, s3;
	s0 =	sld [smem:$0x3FA8]  }
0x30: {  	s3 =	sld [smem:$0x3FAB]  }
0x31: {  	[smem:$0x3FB4] =	sst s10  }
0x32: {  	s10 =	sld [smem:$0x3FB2];
	_ =	sdelay $0x3  }
0x33: {  	p0 =	seq.s32 s10, $0x1;
	s10 =	sld [smem:$0x3FB4];
	_ =	sdelay $0x3  }
0x34: {  	[smem:$0x3FB4] =	sst s10  }
0x35: {  	s10 =	sld [smem:$0x3FB3];
	_ =	sdelay $0x3  }
0x36: {  	p1 =	seq.s32 s10, $0x1;
	s10 =	sld [smem:$0x3FB4];
	_ =	sdelay $0x3  }
0x37: {  	[smem:$0x3FB4] =	sst s10  }
0x38: {  	s10 =	sld [smem:$0x3FB5]  }
0x39: {  	_ = 	snop;
	(pc) =	sbr.ind lr, $3  }
0x3a: {  	_ = 	snop  }
0x3b: {  	_ = 	snop  }
0x3c: {  	p2 =	seq.s32 s10, $0x1;
	s10 =	sld [smem:$0x3FB4]  }
0x3d: {  	_ =	shalt  }
0x3e: {  	_ =	shalt  }
0x3f: {  	_ =	shalt  }
0x40: {  	_ =	shalt  }
0x41: {  	_ =	shalt  }
0x42: {  	_ =	shalt  }
0x43: {  	_ =	shalt  }
0x44: {  	_ =	shalt  }
0x45: {  	_ =	shalt  }
0x46: {  	_ =	shalt  }
0x47: {  	_ =	shalt  }
0x48: {  	_ =	shalt  }
0x49: {  	_ =	shalt  }
0x4a: {  	_ =	shalt  }
0x4b: {  	_ =	shalt  }
0x4c: {  	_ =	shalt  }
0x4d: {  	_ =	shalt  }
0x4e: {  	_ =	shalt  }
0x4f: {  	_ =	shalt  }
0x50: {  	_ =	shalt  }
0x51: {  	_ =	shalt  }
0x52: {  	_ =	shalt  }
0x53: {  	_ =	shalt  }
0x54: {  	_ =	shalt  }
0x55: {  	_ =	shalt  }
0x56: {  	_ =	shalt  }
0x57: {  	_ =	shalt  }
0x58: {  	_ =	shalt  }
0x59: {  	_ =	shalt  }
0x5a: {  	_ =	shalt  }
0x5b: {  	_ =	shalt  }
0x5c: {  	_ =	shalt  }
0x5d: {  	_ =	shalt  }
0x5e: {  	_ =	shalt  }
0x5f: {  	_ =	shalt  }
0x60: {  	_ =	shalt  }
0x61: {  	_ =	shalt  }
0x62: {  	_ =	shalt  }
0x63: {  	_ =	shalt  }
0x64: {  	_ =	shalt  }
0x65: {  	_ =	shalt  }
0x66: {  	_ =	shalt  }
0x67: {  	_ =	shalt  }
0x68: {  	_ =	shalt  }
0x69: {  	_ =	shalt  }
0x6a: {  	_ =	shalt  }
0x6b: {  	_ =	shalt  }
0x6c: {  	_ =	shalt  }
0x6d: {  	_ =	shalt  }
0x6e: {  	_ =	shalt  }
0x6f: {  	_ =	shalt  }
0x70: {  	_ =	shalt  }
0x71: {  	_ =	shalt  }
0x72: {  	_ =	shalt  }
0x73: {  	_ =	shalt  }
0x74: {  	_ =	shalt  }
0x75: {  	_ =	shalt  }
0x76: {  	_ =	shalt  }
0x77: {  	_ =	shalt  }
0x78: {  	_ =	shalt  }
0x79: {  	_ =	shalt  }
0x7a: {  	_ =	shalt  }
0x7b: {  	_ =	shalt  }
0x7c: {  	_ =	shalt  }
0x7d: {  	_ =	shalt  }
0x7e: {  	_ =	shalt  }
0x7f: {  	_ =	shalt  }
0x80: {  	_ =	shalt  }
0x81: {  	_ =	shalt  }
0x82: {  	_ =	shalt  }
0x83: {  	_ =	shalt  }
0x84: {  	_ =	shalt  }
0x85: {  	_ =	shalt  }
0x86: {  	_ =	shalt  }
0x87: {  	_ =	shalt  }
.Lfunc_end0:
.L_simem_size_0:
called_computation.1_lowered:
.L_overlay_start_0:
0x88: {  	s2 =	sld [smem:$0x3FD9]  }
0x89: {  	s3 =	sld [smem:$0x3FFE];
	_ =	sdelay $0x1  }
0x8a: {  	s1 =	srdreg.scid  }
0x8b: {  	s0 =	sand.u32 $0x1, s1  }
0x8c: {  	s17 =	sshll.u32 s0, $0xA;
	s2 =	sadd.s32 s3, s2  }
0x8d: {  	s2 =	sadd.s32 s2, s17  }
0x8e: {  	[smem:$0x3FC0] =	sst s2  }
0x8f: {  	_ = 	snop  }
0x90: {  	s2 =	sld [smem:$0x3FD0];
	(tm) =	ssettm $0x1  }
0x91: {  	s18 =	sld [smem:$0x3FFB];
	_ =	sdelay $0x3  }
0x92: {  	_ =	strace s18  }
0x93: {  	s3 =	sld [smem:$0x3FFC];
	_ =	sdelay $0x3  }
0x94: {  	_ =	strace s3  }
0x95: {  	s3 =	sld [smem:$0x3FFD];
	_ =	sdelay $0x3  }
0x96: {  	_ =	strace s3  }
0x97: {  	_ =	strace $0x8FFFFFFF  }
0x98: {  	s19 =	sld [smem:$0x3FDB];
	_ =	sdelay $0x1  }
0x99: {  	s4 =	simm.s32 $_scs_section_size  }
0x9a: {  	s5 =	simm.s32 $_size__tile_overlayer_lowered;
	s6 =	simm.s32 $_tile_overlayer_lowered  }
0x9b: {  	s22 =	simm.s32 $0x1BFF;
	s21 =	sshll.u32 s6, $0x1;
	s3 =	sadd.s32 s4, s19  }
0x9c: {  	s7 =	simm.s32 $0x0;
	s20 =	sshll.u32 s5, $0x1;
	s5 =	sadd.s32 s21, s3  }
0x9d: {  	[timem:s7], [sflag:s22] =	dma.local [hbm:s5], s20  }
0x9e: {  	_ =	swait.ge [sflag:s22], s20  }
0x9f: {  	s4 =	ssub.s32 $0x0, s20;
	[sflag:s22] =	ssyncset.done $0x0  }
0xa0: {  	[sflag:s22] =	ssyncadd.s32 s4;
	_ =	sdelay $0x1  }
0xa1: {  	s23 =	simm.s32 $0x1B8B  }
0xa2: {  	_ =	swait.ge [sflag:s23], $0x1  }
0xa3: {  	[sflag:s23] =	ssyncset.done $0x0  }
0xa4: {  	s25 =	simm.s32 $0x1B8E;
	s24 =	sld [smem:$0x3FFE];
	[sflag:s23] =	ssyncadd.s32 $0xFFFFFFFF  }
0xa5: {  	s26 =	simm.s32 $execute0_lowered;
	[smem:$0x3FD2] =	sst s25  }
0xa6: {  	s5 =	sshll.u32 s26, $0x1;
	_ =	strace $0x80000049;
	[dreg:$0x1] =	wrdreg $0xFFFFFFFF  }
0xa7: {  	s28 =	simm.s32 $_size_execute0_lowered;
	s3 =	sadd.s32 s3, s5;
	[dreg:$0x0] =	wrdreg $0x0  }
0xa8: {  	s5 =	sshll.u32 s28, $0x1;
	[dreg:$0x2] =	wrdreg s3  }
0xa9: {  	[dreg:$0x3] =	wrdreg s5  }
0xaa: {  	[dreg:$0x4] =	wrdreg $0xC0  }
0xab: {  	_ =	task [dreg:s7], $0x5FFFF  }
0xac: {  	[dreg:$0x1] =	wrdreg $0xFFFFFFFF  }
0xad: {  	[dreg:$0x0] =	wrdreg $0x60  }
0xae: {  	[dreg:$0x2] =	wrdreg s24  }
0xaf: {  	[dreg:$0x3] =	wrdreg s2  }
0xb0: {  	[dreg:$0x4] =	wrdreg $0x90000  }
0xb1: {  	[dreg:$0x5] =	wrdreg $0x9  }
0xb2: {  	_ =	task.clear_ibuf [dreg:s7], $0x6FFFF;
	_ =	strace $0x90000049  }
0xb3: {  	s29 =	simm.s32 $0x9;
	_ =	strace $0x8000004E  }
0xb4: {  	_ =	swait.ge [sflag:s29], $0x1  }
0xb5: {  	[sflag:s29] =	ssyncadd.s32 $0xFFFFFFFF  }
0xb6: {  	_ =	strace $0x9000004E  }
0xb7: {  	_ =	sfence  }
0xb8: {  	s30 =	sld [smem:$0x0];
	_ =	sdelay $0x2  }
0xb9: {  	s31 =	sshll.u32 s1, $0xD;
	s1 =	sshrl.u32 s1, $0x2  }
0xba: {  	s3 =	sand.u32 $0x4000, s31;
	s1 =	sadd.s32 s1, s30  }
0xbb: {  	s0 =	sor.u32 s3, s0;
	s1 =	sshll.u32 s1, $0x11  }
0xbc: {  	s0 =	sor.u32 s1, s0  }
0xbd: {  	s0 =	sadd.s32 $0x8F2B, s0  }
0xbe: {  	[sflag:s0] =	ssyncadd.remote.s32 $0x1  }
0xbf: {  	_ =	sfence.sel $0xFFFF  }
0xc0: {  	[dreg:$0x0] =	wrdreg $0xFFFFFFFF;
	(pc) =	sbr.abs _section_cstart, $3  }
0xc1: {  	[dreg:$0x1] =	wrdreg $0xFFFFFFFF  }
0xc2: {  	_ =	task.clear_ibuf [dreg:s7], $0x2FFFF;
	_ =	strace $0x9FFFFFFF  }
0xc3: {  	(tm) =	ssettm $0x7FFFFFFF  }
tec
execute0_lowered:
.L_overlay_start_1:
0x0: {  	(tag) =	ssettag $0x1  }
0x1: {  	s1 =	srdreg.scid;
	s6 =	rddreg [dreg:$0x0]  }
0x2: {  	s0 =	stileid.u32;
	s8 =	rddreg [dreg:$0x1]  }
0x3: {  	s2 =	rddreg [dreg:$0x2];
	s3 =	simm.s32 $0x0;
	s14 =	simm.s32 $0x80  }
0x4: {  	s15 =	simm.s32 $0x5000;
	s16 =	simm.s32 $0x1;
	s17 =	simm.s32 $0x0  }
0x5: {  	s7 =	sand.u32 $0x1, s1;
	s29 =	sshll.u32 s0, $0x1;
	s10 =	smul.u32 $0x14000, s0  }
0x6: {  	[smem:$0x7FF] =	sst s3;
	s4 =	sadd.s32 $0xDE00, s6;
	s12 =	smul.u32 $0x50000, s0  }
0x7: {  	s31 =	sshll.u32 s0, $0x6;
	s1 =	sor.u32 s7, s29;
	s5 =	smul.u32 $0x140000, s7  }
0x8: {  	s7 =	ssub.s32 $0x2, s7;
	s9 =	smul.u32 $0x500, s1;
	s1 =	rddreg [dreg:$0x3]  }
0x9: {  	_ =	strace $0x8000004A;
	s30 =	sshrl.u32 s7, $0x1;
	s12 =	sshrl.u32 s12, $0x2  }
0xa: {  	s10 =	sadd.s32 s10, s5;
	s5 =	sadd.s32 $0x35E00, s6;
	s13 =	ssub.s32 s7, s30  }
0xb: {  	s12 =	sadd.s32 s12, s2;
	s11 =	sadd.s32 s9, s6;
	s10 =	sshrl.u32 s10, $0x3  }
0xc: {  	s10 =	sadd.s32 s10, s6;
	s6 =	sadd.s32 s8, s9;
	s7 =	sadd.s32 $0x3E00, s11  }
0xd: {  	s9 =	smax.u32 s13, $0x1;
	s11 =	sshrl.u32 s12, $0x3;
	s12 =	simm.s32 $0x2  }
0xe: {  	s13 =	simm.s32 $0x2800;
	s8 =	sadd.s32 $0x38600, s10;
	s10 =	sor.u32 $0x1C02, s31  }
.LBB2_1:
0xf: {  	_ =	strace $0x8000004B  }
0x10: {  	[spmem:s11], [sflag:s10] =	dma.local [hbm:s5], $0x2800  }
0x11: {  	_ =	swait.ge [sflag:s12], $0x2800  }
0x12: {  	[sflag:s12] =	ssyncset.done $0x0  }
0x13: {  	[sflag:s12] =	ssyncadd.s32 $0xFFFFD800  }
0x14: {  	[tilespmem:s13], [sflag:$0x2] =	stream.linear.gather [hbm4b:s6+s3], $0x2780, $0x200038;
	[tilespmem:$0x1D000] =	vst v63  }
0x15: {  	_ =	swait.ge [sflag:s12], $0x2780  }
0x16: {  	[sflag:s12] =	ssyncset.done $0x0  }
0x17: {  	[sflag:s12] =	ssyncadd.s32 $0xFFFFD880  }
0x18: {  	[bflag:$0x0] =	sbarrier.arrive $0xFFFF  }
0x19: {  	_ =	strace $0x9000004B  }
0x1a: {  	_ =	strace $0x8000004C  }
0x1b: {  	[tilespmem:s3], [sflag:$0x2] =	stream.linear.gather [hbm4b:s7+s3], $0x2780, $0x200038;
	[tilespmem:$0x1D000] =	vst v63  }
0x1c: {  	_ =	swait.ge [sflag:s12], $0x2780  }
0x1d: {  	[sflag:s12] =	ssyncset.done $0x0  }
0x1e: {  	s18 =	simm.s32 $0x0;
	[sflag:s12] =	ssyncadd.s32 $0xFFFFD880  }
0x1f: {  	[tilespmem:s15], [sflag:$0x1] =	stream.indirect.gather [hbm4b:s4+s14], $0x80, s18, s14, $0x2000b8;
	[tilespmem:$0x1D000] =	vst v63  }
0x20: {  	_ =	swait.ge [sflag:s16], $0x4000  }
0x21: {  	[sflag:s16] =	ssyncset.done $0x0  }
0x22: {  	s31 =	simm.s32 $0x2800;
	[sflag:s16] =	ssyncadd.s32 $0xFFFFC000  }
0x23: {  	[spmem:s2] =	stream.indirect.scatter.add.f32 [tilespmem:s15], [sflag:$0x2], $0x80, s31, s14, $0x2000b8;
	[tilespmem:$0x1D000] =	vst v63  }
0x24: {  	_ =	swait.ge [sflag:s12], $0x4000  }
0x25: {  	s19 =	simm.s32 $0x400;
	s18 =	simm.s32 $0x200;
	[sflag:s12] =	ssyncset.done $0x0  }
.LBB2_2:
0x26: {  	s20 =	sshra.s32 s18, $0x2  }
0x27: {  	[sflag:s12] =	ssyncadd.s32 $0xFFFFC000;
	s18 =	smov.u32 s19;
	s21 =	sadd.s32 $0x200, s19  }
0x28: {  	[tilespmem:s15], [sflag:$0x1] =	stream.indirect.gather [hbm4b:s4+s14], $0x80, s20, s14, $0x2000b8;
	[tilespmem:$0x1D000] =	vst v63  }
0x29: {  	p0 =	sne.s32 s19, $0x9C00;
	_ =	swait.ge [sflag:s16], $0x4000  }
.Ltmp0:
0x2a: {  	[sflag:s16] =	ssyncset.done $0x0;
	(pc) =	sbr.rel @p0 .LBB2_2-.Ltmp0, $4  }
0x2b: {  	s19 =	sadd.s32 $0x2800, s20;
	[sflag:s16] =	ssyncadd.s32 $0xFFFFC000  }
0x2c: {  	[spmem:s2] =	stream.indirect.scatter.add.f32 [tilespmem:s15], [sflag:$0x2], $0x80, s19, s14, $0x2000b8;
	[tilespmem:$0x1D000] =	vst v63  }
0x2d: {  	_ =	swait.ge [sflag:s12], $0x4000  }
0x2e: {  	s19 =	smov.u32 s21;
	[sflag:s12] =	ssyncset.done $0x0  }
0x2f: {  	s18 =	sshra.s32 s18, $0x2;
	[sflag:s12] =	ssyncadd.s32 $0xFFFFC000  }
0x30: {  	[tilespmem:s15], [sflag:$0x1] =	stream.indirect.gather [hbm4b:s4+s14], $0x80, s18, s14, $0x2000b8;
	[tilespmem:$0x1D000] =	vst v63  }
0x31: {  	_ =	swait.ge [sflag:s16], $0x4000  }
0x32: {  	[sflag:s16] =	ssyncset.done $0x0  }
0x33: {  	s18 =	sadd.s32 $0x2800, s18;
	[sflag:s16] =	ssyncadd.s32 $0xFFFFC000  }
0x34: {  	[spmem:s2] =	stream.indirect.scatter.add.f32 [tilespmem:s15], [sflag:$0x2], $0x80, s18, s14, $0x2000b8;
	[tilespmem:$0x1D000] =	vst v63  }
0x35: {  	_ =	swait.ge [sflag:s12], $0x4000  }
0x36: {  	[sflag:s12] =	ssyncset.done $0x0  }
0x37: {  	[sflag:s12] =	ssyncadd.s32 $0xFFFFC000  }
0x38: {  	[bflag:$0x0] =	sbarrier.arrive $0xFFFF  }
0x39: {  	s17 =	sadd.s32 $0x1, s17;
	_ =	strace $0x9000004C  }
0x3a: {  	p0 =	sne.s32 s17, s9;
	_ =	strace $0x8000004D  }
0x3b: {  	[hbm:s8], [sflag:s10] =	dma.local [spmem:s11], $0x2800  }
.Ltmp1:
0x3c: {  	_ = 	snop;
	(pc) =	sbr.rel @p0 .LBB2_1-.Ltmp1, $4  }
0x3d: {  	_ =	swait.ge [sflag:s12], $0x2800  }
0x3e: {  	[sflag:s12] =	ssyncset.done $0x0  }
0x3f: {  	[sflag:s12] =	ssyncadd.s32 $0xFFFFD800  }
0x40: {  	_ =	strace $0x9000004D  }
0x41: {  	_ =	sfence.sel $0x180000  }
0x42: {  	[bflag:$0x0] =	sbarrier.arrive $0xFFFF  }
0x43: {  	p0 =	sne.s32 s0, $0x0;
	_ =	strace $0x9000004A  }
0x44: {  	s0 =	sadd.s32 @!p0 $0x100000, s1;
	[bflag:$0x2] =	sbarrier.arrive $0xFFFF  }
0x45: {  	[sflag:s0] =	ssyncadd.tile.s32 @!p0 $0x1;
	_ =	shalt  }
.Lfunc_end2:
_tile_overlayer_lowered:
.L_overlay_start_2:
0x46: {  	(tag) =	ssettag $0x2  }
0x47: {  	s0 =	rddreg [dreg:$0x0];
	s2 =	stileid.u32  }
0x48: {  	s1 =	rddreg [dreg:$0x1];
	p0 =	sne.s32 s2, $0x0  }
0x49: {  	s3 =	rddreg [dreg:$0x2];
	[bflag:$0x3] =	sbarrier.arrive $0xFFFF;
	s2 =	simm.s32 @!p0 $0x1C02  }
0x4a: {  	[timem:s3], [sflag:s2] =	dma.local @!p0 [hbm:s0], s1  }
0x4b: {  	s0 =	simm.s32 @!p0 $0x2  }
0x4c: {  	_ =	swait.ge @!p0 [sflag:s0], s1  }
0x4d: {  	s1 =	ssub.s32 @!p0 $0x0, s1;
	[sflag:s0] =	ssyncset.done @!p0 $0x0  }
0x4e: {  	[sflag:s0] =	ssyncadd.s32 @!p0 s1  }
0x4f: {  	[bflag:$0x3] =	sbarrier.arrive $0xFFFF  }
0x50: {  	_ =	shalt  }

// kernel: kernel.14.cloned.1.call-start
scs
__scs_entry_jumppad:
0x0: {  	(pc) =	sbr.rel $0x88, $3  }
0x1: {  	(tag) =	ssettag $0x0;
	lr =	simm.s32 $0x1  }
0x2: {  	[smem:$0x3F99] =	sst lr;
	_ =	strace $0xD0000000  }
0x3: {  	_ = 	snop  }
0x4: {  	_ = 	snop  }
0x5: {  	_ = 	snop  }
0x6: {  	_ = 	snop  }
0x7: {  	_ = 	snop  }
__scs_overlays_trampoline_lowered:
0x8: {  	[smem:$0x3FA8] =	sst s0  }
0x9: {  	[smem:$0x3FA9] =	sst s1  }
0xa: {  	[smem:$0x3FAA] =	sst s2  }
0xb: {  	[smem:$0x3FAB] =	sst s3  }
0xc: {  	[smem:$0x3FAC] =	sst s4  }
0xd: {  	[smem:$0x3FAD] =	sst s5  }
0xe: {  	[smem:$0x3FAE] =	sst s6  }
0xf: {  	[smem:$0x3FAF] =	sst s7  }
0x10: {  	[smem:$0x3FB0] =	sst s8  }
0x11: {  	[smem:$0x3FB1] =	sst s9;
	s0 =	simm.s32 @!p0 $0x0  }
0x12: {  	s1 =	sld [smem:$0x3F97];
	s0 =	simm.s32 @p0 $0x1  }
0x13: {  	[smem:$0x3FB2] =	sst s0;
	s0 =	simm.s32 @!p1 $0x0  }
0x14: {  	s2 =	sld [smem:$0x3F96];
	s0 =	simm.s32 @p1 $0x1  }
0x15: {  	[smem:$0x3FB3] =	sst s0;
	s0 =	simm.s32 @!p2 $0x0  }
0x16: {  	s3 =	sld [smem:$0x3FDB];
	s0 =	simm.s32 @p2 $0x1  }
0x17: {  	s4 =	simm.s32 $0x1BF5;
	[smem:$0x3FB5] =	sst s0  }
0x18: {  	s0 =	sld [smem:$0x3F98];
	_ =	swait.ge [sflag:s4], $0x0  }
0x19: {  	s7 =	sld [smem:$0x3F99]  }
0x1a: {  	s8 =	sadd.s32 $0xFFFFE003, lr  }
0x1b: {  	s9 =	sadd.s32 $0xFFFFFEF7, lr;
	s5 =	simm.s32 $0xFFFFFFFF;
	p2 =	slt.u32 s8, $0xFFFFF086  }
0x1c: {  	p1 =	slt.u32 s9, $0xF7A;
	s5 =	simm.s32 @!p2 $0x0  }
0x1d: {  	s5 =	simm.s32 @p1 $0x1;
	p0 =	seq.s32 s7, s2  }
0x1e: {  	s7 =	smul.u32 @!p0 $0xF7A, s2;
	p2 =	seq.s32 @!p0 s5, $0x0  }
0x1f: {  	s9 =	smul.u32 $0xF7A, s1;
	s8 =	simm.s32 @!p0 $0x1BF5;
	p2 =	por !p2, p0  }
0x20: {  	[sflag:s8] =	ssyncset.s32 @!p0 $0xFFFFF086;
	s6 =	sadd.s32 @!p0 s3, s7;
	s7 =	simm.s32 @!p0 $0x108  }
0x21: {  	s3 =	sadd.s32 s3, s9;
	s6 =	sadd.s32 @!p0 $0x88, s6;
	s7 =	simm.s32 @p2 $0x1082  }
0x22: {  	[simem:s7], [sflag:s8] =	dma.local @!p0 [hbm:s6], $0xF7A  }
0x23: {  	s9 =	sor.u32 $0xD0000000, s2;
	s6 =	simm.s32 $0x108;
	_ =	swait.ge @!p0 [sflag:s8], $0x0  }
0x24: {  	s3 =	sadd.s32 $0x88, s3;
	s6 =	simm.s32 @!p1 $0x1082;
	[sflag:s4] =	ssyncset.s32 $0xFFFFF086  }
0x25: {  	[simem:s6], [sflag:s4] =	dma.local [hbm:s3], $0xF7A  }
0x26: {  	[smem:$0x3F99] =	sst s1;
	(tag) =	ssettag s2;
	_ =	strace s9  }
0x27: {  	s1 =	sld [smem:$0x3FA9]  }
0x28: {  	s2 =	sld [smem:$0x3FAA]  }
0x29: {  	s4 =	sld [smem:$0x3FAC]  }
0x2a: {  	p0 =	seq.s32 s5, $0x0;
	s5 =	sld [smem:$0x3FAD]  }
0x2b: {  	s6 =	sld [smem:$0x3FAE]  }
0x2c: {  	s7 =	sld [smem:$0x3FAF]  }
0x2d: {  	s3 =	simm.s32 $0x108;
	s8 =	sld [smem:$0x3FB0]  }
0x2e: {  	s3 =	simm.s32 @!p0 $0x1082;
	s9 =	sld [smem:$0x3FB1]  }
0x2f: {  	lr =	sadd.s32 s0, s3;
	s0 =	sld [smem:$0x3FA8]  }
0x30: {  	s3 =	sld [smem:$0x3FAB]  }
0x31: {  	[smem:$0x3FB4] =	sst s10  }
0x32: {  	s10 =	sld [smem:$0x3FB2];
	_ =	sdelay $0x3  }
0x33: {  	p0 =	seq.s32 s10, $0x1;
	s10 =	sld [smem:$0x3FB4];
	_ =	sdelay $0x3  }
0x34: {  	[smem:$0x3FB4] =	sst s10  }
0x35: {  	s10 =	sld [smem:$0x3FB3];
	_ =	sdelay $0x3  }
0x36: {  	p1 =	seq.s32 s10, $0x1;
	s10 =	sld [smem:$0x3FB4];
	_ =	sdelay $0x3  }
0x37: {  	[smem:$0x3FB4] =	sst s10  }
0x38: {  	s10 =	sld [smem:$0x3FB5]  }
0x39: {  	_ = 	snop;
	(pc) =	sbr.ind lr, $3  }
0x3a: {  	_ = 	snop  }
0x3b: {  	_ = 	snop  }
0x3c: {  	p2 =	seq.s32 s10, $0x1;
	s10 =	sld [smem:$0x3FB4]  }
0x3d: {  	_ =	shalt  }
0x3e: {  	_ =	shalt  }
0x3f: {  	_ =	shalt  }
0x40: {  	_ =	shalt  }
0x41: {  	_ =	shalt  }
0x42: {  	_ =	shalt  }
0x43: {  	_ =	shalt  }
0x44: {  	_ =	shalt  }
0x45: {  	_ =	shalt  }
0x46: {  	_ =	shalt  }
0x47: {  	_ =	shalt  }
0x48: {  	_ =	shalt  }
0x49: {  	_ =	shalt  }
0x4a: {  	_ =	shalt  }
0x4b: {  	_ =	shalt  }
0x4c: {  	_ =	shalt  }
0x4d: {  	_ =	shalt  }
0x4e: {  	_ =	shalt  }
0x4f: {  	_ =	shalt  }
0x50: {  	_ =	shalt  }
0x51: {  	_ =	shalt  }
0x52: {  	_ =	shalt  }
0x53: {  	_ =	shalt  }
0x54: {  	_ =	shalt  }
0x55: {  	_ =	shalt  }
0x56: {  	_ =	shalt  }
0x57: {  	_ =	shalt  }
0x58: {  	_ =	shalt  }
0x59: {  	_ =	shalt  }
0x5a: {  	_ =	shalt  }
0x5b: {  	_ =	shalt  }
0x5c: {  	_ =	shalt  }
0x5d: {  	_ =	shalt  }
0x5e: {  	_ =	shalt  }
0x5f: {  	_ =	shalt  }
0x60: {  	_ =	shalt  }
0x61: {  	_ =	shalt  }
0x62: {  	_ =	shalt  }
0x63: {  	_ =	shalt  }
0x64: {  	_ =	shalt  }
0x65: {  	_ =	shalt  }
0x66: {  	_ =	shalt  }
0x67: {  	_ =	shalt  }
0x68: {  	_ =	shalt  }
0x69: {  	_ =	shalt  }
0x6a: {  	_ =	shalt  }
0x6b: {  	_ =	shalt  }
0x6c: {  	_ =	shalt  }
0x6d: {  	_ =	shalt  }
0x6e: {  	_ =	shalt  }
0x6f: {  	_ =	shalt  }
0x70: {  	_ =	shalt  }
0x71: {  	_ =	shalt  }
0x72: {  	_ =	shalt  }
0x73: {  	_ =	shalt  }
0x74: {  	_ =	shalt  }
0x75: {  	_ =	shalt  }
0x76: {  	_ =	shalt  }
0x77: {  	_ =	shalt  }
0x78: {  	_ =	shalt  }
0x79: {  	_ =	shalt  }
0x7a: {  	_ =	shalt  }
0x7b: {  	_ =	shalt  }
0x7c: {  	_ =	shalt  }
0x7d: {  	_ =	shalt  }
0x7e: {  	_ =	shalt  }
0x7f: {  	_ =	shalt  }
0x80: {  	_ =	shalt  }
0x81: {  	_ =	shalt  }
0x82: {  	_ =	shalt  }
0x83: {  	_ =	shalt  }
0x84: {  	_ =	shalt  }
0x85: {  	_ =	shalt  }
0x86: {  	_ =	shalt  }
0x87: {  	_ =	shalt  }
.Lfunc_end0:
.L_simem_size_0:
called_computation.2_lowered:
.L_overlay_start_0:
0x88: {  	s2 =	sld [smem:$0x3FD9]  }
0x89: {  	s3 =	sld [smem:$0x3FFE];
	_ =	sdelay $0x1  }
0x8a: {  	s1 =	srdreg.scid  }
0x8b: {  	s0 =	sand.u32 $0x1, s1  }
0x8c: {  	s17 =	sshll.u32 s0, $0xA;
	s2 =	sadd.s32 s3, s2  }
0x8d: {  	s2 =	sadd.s32 s2, s17  }
0x8e: {  	[smem:$0x3FC0] =	sst s2  }
0x8f: {  	_ = 	snop  }
0x90: {  	s2 =	sld [smem:$0x3FD0];
	(tm) =	ssettm $0x1  }
0x91: {  	s18 =	sld [smem:$0x3FFB];
	_ =	sdelay $0x3  }
0x92: {  	_ =	strace s18  }
0x93: {  	s3 =	sld [smem:$0x3FFC];
	_ =	sdelay $0x3  }
0x94: {  	_ =	strace s3  }
0x95: {  	s3 =	sld [smem:$0x3FFD];
	_ =	sdelay $0x3  }
0x96: {  	_ =	strace s3  }
0x97: {  	_ =	strace $0x8FFFFFFF  }
0x98: {  	s19 =	sld [smem:$0x3FDB];
	_ =	sdelay $0x1  }
0x99: {  	s4 =	simm.s32 $_scs_section_size  }
0x9a: {  	s5 =	simm.s32 $_size__tile_overlayer_lowered;
	s6 =	simm.s32 $_tile_overlayer_lowered  }
0x9b: {  	s22 =	simm.s32 $0x1BFF;
	s21 =	sshll.u32 s6, $0x1;
	s3 =	sadd.s32 s4, s19  }
0x9c: {  	s7 =	simm.s32 $0x0;
	s20 =	sshll.u32 s5, $0x1;
	s5 =	sadd.s32 s21, s3  }
0x9d: {  	[timem:s7], [sflag:s22] =	dma.local [hbm:s5], s20  }
0x9e: {  	_ =	swait.ge [sflag:s22], s20  }
0x9f: {  	s4 =	ssub.s32 $0x0, s20;
	[sflag:s22] =	ssyncset.done $0x0  }
0xa0: {  	[sflag:s22] =	ssyncadd.s32 s4;
	_ =	sdelay $0x1  }
0xa1: {  	s23 =	simm.s32 $0x1B8B  }
0xa2: {  	_ =	swait.ge [sflag:s23], $0x1  }
0xa3: {  	[sflag:s23] =	ssyncset.done $0x0  }
0xa4: {  	s25 =	simm.s32 $0x1B8E;
	s24 =	sld [smem:$0x3FFE];
	[sflag:s23] =	ssyncadd.s32 $0xFFFFFFFF  }
0xa5: {  	s26 =	simm.s32 $execute0_lowered;
	[smem:$0x3FD2] =	sst s25  }
0xa6: {  	s5 =	sshll.u32 s26, $0x1;
	_ =	strace $0x8000004F;
	[dreg:$0x1] =	wrdreg $0xFFFFFFFF  }
0xa7: {  	s28 =	simm.s32 $_size_execute0_lowered;
	s3 =	sadd.s32 s3, s5;
	[dreg:$0x0] =	wrdreg $0x0  }
0xa8: {  	s5 =	sshll.u32 s28, $0x1;
	[dreg:$0x2] =	wrdreg s3  }
0xa9: {  	[dreg:$0x3] =	wrdreg s5  }
0xaa: {  	[dreg:$0x4] =	wrdreg $0xC0  }
0xab: {  	_ =	task [dreg:s7], $0x5FFFF  }
0xac: {  	[dreg:$0x1] =	wrdreg $0xFFFFFFFF  }
0xad: {  	[dreg:$0x0] =	wrdreg $0x60  }
0xae: {  	[dreg:$0x2] =	wrdreg s24  }
0xaf: {  	[dreg:$0x3] =	wrdreg s2  }
0xb0: {  	[dreg:$0x4] =	wrdreg $0x90000  }
0xb1: {  	[dreg:$0x5] =	wrdreg $0x9  }
0xb2: {  	_ =	task.clear_ibuf [dreg:s7], $0x6FFFF;
	_ =	strace $0x9000004F  }
0xb3: {  	s29 =	simm.s32 $0x9;
	_ =	strace $0x80000054  }
0xb4: {  	_ =	swait.ge [sflag:s29], $0x1  }
0xb5: {  	[sflag:s29] =	ssyncadd.s32 $0xFFFFFFFF  }
0xb6: {  	_ =	strace $0x90000054  }
0xb7: {  	_ =	sfence  }
0xb8: {  	s30 =	sld [smem:$0x0];
	_ =	sdelay $0x2  }
0xb9: {  	s31 =	sshll.u32 s1, $0xD;
	s1 =	sshrl.u32 s1, $0x2  }
0xba: {  	s3 =	sand.u32 $0x4000, s31;
	s1 =	sadd.s32 s1, s30  }
0xbb: {  	s0 =	sor.u32 s3, s0;
	s1 =	sshll.u32 s1, $0x11  }
0xbc: {  	s0 =	sor.u32 s1, s0  }
0xbd: {  	s0 =	sadd.s32 $0x8F2B, s0  }
0xbe: {  	[sflag:s0] =	ssyncadd.remote.s32 $0x1  }
0xbf: {  	_ =	sfence.sel $0xFFFF  }
0xc0: {  	[dreg:$0x0] =	wrdreg $0xFFFFFFFF;
	(pc) =	sbr.abs _section_cstart, $3  }
0xc1: {  	[dreg:$0x1] =	wrdreg $0xFFFFFFFF  }
0xc2: {  	_ =	task.clear_ibuf [dreg:s7], $0x2FFFF;
	_ =	strace $0x9FFFFFFF  }
0xc3: {  	(tm) =	ssettm $0x7FFFFFFF  }
tec
execute0_lowered:
.L_overlay_start_1:
0x0: {  	(tag) =	ssettag $0x1  }
0x1: {  	s1 =	srdreg.scid;
	s6 =	rddreg [dreg:$0x0]  }
0x2: {  	s0 =	stileid.u32;
	s8 =	rddreg [dreg:$0x1]  }
0x3: {  	s2 =	rddreg [dreg:$0x2];
	s3 =	simm.s32 $0x0;
	s14 =	simm.s32 $0x80  }
0x4: {  	s15 =	simm.s32 $0x5000;
	s16 =	simm.s32 $0x1;
	s17 =	simm.s32 $0x0  }
0x5: {  	s7 =	sand.u32 $0x1, s1;
	s29 =	sshll.u32 s0, $0x1;
	s10 =	smul.u32 $0x14000, s0  }
0x6: {  	[smem:$0x7FF] =	sst s3;
	s4 =	sadd.s32 $0xDE00, s6;
	s12 =	smul.u32 $0x50000, s0  }
0x7: {  	s31 =	sshll.u32 s0, $0x6;
	s1 =	sor.u32 s7, s29;
	s5 =	smul.u32 $0x140000, s7  }
0x8: {  	s7 =	ssub.s32 $0x2, s7;
	s9 =	smul.u32 $0x500, s1;
	s1 =	rddreg [dreg:$0x3]  }
0x9: {  	_ =	strace $0x80000050;
	s30 =	sshrl.u32 s7, $0x1;
	s12 =	sshrl.u32 s12, $0x2  }
0xa: {  	s10 =	sadd.s32 s10, s5;
	s5 =	sadd.s32 $0x35E00, s6;
	s13 =	ssub.s32 s7, s30  }
0xb: {  	s12 =	sadd.s32 s12, s2;
	s11 =	sadd.s32 s9, s6;
	s10 =	sshrl.u32 s10, $0x3  }
0xc: {  	s10 =	sadd.s32 s10, s6;
	s6 =	sadd.s32 s8, s9;
	s7 =	sadd.s32 $0x3E00, s11  }
0xd: {  	s9 =	smax.u32 s13, $0x1;
	s11 =	sshrl.u32 s12, $0x3;
	s12 =	simm.s32 $0x2  }
0xe: {  	s13 =	simm.s32 $0x2800;
	s8 =	sadd.s32 $0x38600, s10;
	s10 =	sor.u32 $0x1C02, s31  }
.LBB2_1:
0xf: {  	_ =	strace $0x80000051  }
0x10: {  	[spmem:s11], [sflag:s10] =	dma.local [hbm:s5], $0x2800  }
0x11: {  	_ =	swait.ge [sflag:s12], $0x2800  }
0x12: {  	[sflag:s12] =	ssyncset.done $0x0  }
0x13: {  	[sflag:s12] =	ssyncadd.s32 $0xFFFFD800  }
0x14: {  	[tilespmem:s13], [sflag:$0x2] =	stream.linear.gather [hbm4b:s6+s3], $0x2780, $0x200038;
	[tilespmem:$0x1D000] =	vst v63  }
0x15: {  	_ =	swait.ge [sflag:s12], $0x2780  }
0x16: {  	[sflag:s12] =	ssyncset.done $0x0  }
0x17: {  	[sflag:s12] =	ssyncadd.s32 $0xFFFFD880  }
0x18: {  	[bflag:$0x0] =	sbarrier.arrive $0xFFFF  }
0x19: {  	_ =	strace $0x90000051  }
0x1a: {  	_ =	strace $0x80000052  }
0x1b: {  	[tilespmem:s3], [sflag:$0x2] =	stream.linear.gather [hbm4b:s7+s3], $0x2780, $0x200038;
	[tilespmem:$0x1D000] =	vst v63  }
0x1c: {  	_ =	swait.ge [sflag:s12], $0x2780  }
0x1d: {  	[sflag:s12] =	ssyncset.done $0x0  }
0x1e: {  	s18 =	simm.s32 $0x0;
	[sflag:s12] =	ssyncadd.s32 $0xFFFFD880  }
0x1f: {  	[tilespmem:s15], [sflag:$0x1] =	stream.indirect.gather [hbm4b:s4+s14], $0x80, s18, s14, $0x2000b8;
	[tilespmem:$0x1D000] =	vst v63  }
0x20: {  	_ =	swait.ge [sflag:s16], $0x4000  }
0x21: {  	[sflag:s16] =	ssyncset.done $0x0  }
0x22: {  	s31 =	simm.s32 $0x2800;
	[sflag:s16] =	ssyncadd.s32 $0xFFFFC000  }
0x23: {  	[spmem:s2] =	stream.indirect.scatter.add.f32 [tilespmem:s15], [sflag:$0x2], $0x80, s31, s14, $0x2000b8;
	[tilespmem:$0x1D000] =	vst v63  }
0x24: {  	_ =	swait.ge [sflag:s12], $0x4000  }
0x25: {  	s19 =	simm.s32 $0x400;
	s18 =	simm.s32 $0x200;
	[sflag:s12] =	ssyncset.done $0x0  }
.LBB2_2:
0x26: {  	s20 =	sshra.s32 s18, $0x2  }
0x27: {  	[sflag:s12] =	ssyncadd.s32 $0xFFFFC000;
	s18 =	smov.u32 s19;
	s21 =	sadd.s32 $0x200, s19  }
0x28: {  	[tilespmem:s15], [sflag:$0x1] =	stream.indirect.gather [hbm4b:s4+s14], $0x80, s20, s14, $0x2000b8;
	[tilespmem:$0x1D000] =	vst v63  }
0x29: {  	p0 =	sne.s32 s19, $0x9C00;
	_ =	swait.ge [sflag:s16], $0x4000  }
.Ltmp0:
0x2a: {  	[sflag:s16] =	ssyncset.done $0x0;
	(pc) =	sbr.rel @p0 .LBB2_2-.Ltmp0, $4  }
0x2b: {  	s19 =	sadd.s32 $0x2800, s20;
	[sflag:s16] =	ssyncadd.s32 $0xFFFFC000  }
0x2c: {  	[spmem:s2] =	stream.indirect.scatter.add.f32 [tilespmem:s15], [sflag:$0x2], $0x80, s19, s14, $0x2000b8;
	[tilespmem:$0x1D000] =	vst v63  }
0x2d: {  	_ =	swait.ge [sflag:s12], $0x4000  }
0x2e: {  	s19 =	smov.u32 s21;
	[sflag:s12] =	ssyncset.done $0x0  }
0x2f: {  	s18 =	sshra.s32 s18, $0x2;
	[sflag:s12] =	ssyncadd.s32 $0xFFFFC000  }
0x30: {  	[tilespmem:s15], [sflag:$0x1] =	stream.indirect.gather [hbm4b:s4+s14], $0x80, s18, s14, $0x2000b8;
	[tilespmem:$0x1D000] =	vst v63  }
0x31: {  	_ =	swait.ge [sflag:s16], $0x4000  }
0x32: {  	[sflag:s16] =	ssyncset.done $0x0  }
0x33: {  	s18 =	sadd.s32 $0x2800, s18;
	[sflag:s16] =	ssyncadd.s32 $0xFFFFC000  }
0x34: {  	[spmem:s2] =	stream.indirect.scatter.add.f32 [tilespmem:s15], [sflag:$0x2], $0x80, s18, s14, $0x2000b8;
	[tilespmem:$0x1D000] =	vst v63  }
0x35: {  	_ =	swait.ge [sflag:s12], $0x4000  }
0x36: {  	[sflag:s12] =	ssyncset.done $0x0  }
0x37: {  	[sflag:s12] =	ssyncadd.s32 $0xFFFFC000  }
0x38: {  	[bflag:$0x0] =	sbarrier.arrive $0xFFFF  }
0x39: {  	s17 =	sadd.s32 $0x1, s17;
	_ =	strace $0x90000052  }
0x3a: {  	p0 =	sne.s32 s17, s9;
	_ =	strace $0x80000053  }
0x3b: {  	[hbm:s8], [sflag:s10] =	dma.local [spmem:s11], $0x2800  }
.Ltmp1:
0x3c: {  	_ = 	snop;
	(pc) =	sbr.rel @p0 .LBB2_1-.Ltmp1, $4  }
0x3d: {  	_ =	swait.ge [sflag:s12], $0x2800  }
0x3e: {  	[sflag:s12] =	ssyncset.done $0x0  }
0x3f: {  	[sflag:s12] =	ssyncadd.s32 $0xFFFFD800  }
0x40: {  	_ =	strace $0x90000053  }
0x41: {  	_ =	sfence.sel $0x180000  }
0x42: {  	[bflag:$0x0] =	sbarrier.arrive $0xFFFF  }
0x43: {  	p0 =	sne.s32 s0, $0x0;
	_ =	strace $0x90000050  }
0x44: {  	s0 =	sadd.s32 @!p0 $0x100000, s1;
	[bflag:$0x2] =	sbarrier.arrive $0xFFFF  }
0x45: {  	[sflag:s0] =	ssyncadd.tile.s32 @!p0 $0x1;
	_ =	shalt  }
.Lfunc_end2:
_tile_overlayer_lowered:
.L_overlay_start_2:
0x46: {  	(tag) =	ssettag $0x2  }
0x47: {  	s0 =	rddreg [dreg:$0x0];
	s2 =	stileid.u32  }
0x48: {  	s1 =	rddreg [dreg:$0x1];
	p0 =	sne.s32 s2, $0x0  }
0x49: {  	s3 =	rddreg [dreg:$0x2];
	[bflag:$0x3] =	sbarrier.arrive $0xFFFF;
	s2 =	simm.s32 @!p0 $0x1C02  }
0x4a: {  	[timem:s3], [sflag:s2] =	dma.local @!p0 [hbm:s0], s1  }
0x4b: {  	s0 =	simm.s32 @!p0 $0x2  }
0x4c: {  	_ =	swait.ge @!p0 [sflag:s0], s1  }
0x4d: {  	s1 =	ssub.s32 @!p0 $0x0, s1;
	[sflag:s0] =	ssyncset.done @!p0 $0x0  }
0x4e: {  	[sflag:s0] =	ssyncadd.s32 @!p0 s1  }
0x4f: {  	[bflag:$0x3] =	sbarrier.arrive $0xFFFF  }
0x50: {  	_ =	shalt  }

// kernel: kernel.8.cloned.1.call-start
scs
__scs_entry_jumppad:
0x0: {  	(pc) =	sbr.rel $0x88, $3  }
0x1: {  	(tag) =	ssettag $0x0;
	lr =	simm.s32 $0x1  }
0x2: {  	[smem:$0x3F99] =	sst lr;
	_ =	strace $0xD0000000  }
0x3: {  	_ = 	snop  }
0x4: {  	_ = 	snop  }
0x5: {  	_ = 	snop  }
0x6: {  	_ = 	snop  }
0x7: {  	_ = 	snop  }
__scs_overlays_trampoline_lowered:
0x8: {  	[smem:$0x3FA8] =	sst s0  }
0x9: {  	[smem:$0x3FA9] =	sst s1  }
0xa: {  	[smem:$0x3FAA] =	sst s2  }
0xb: {  	[smem:$0x3FAB] =	sst s3  }
0xc: {  	[smem:$0x3FAC] =	sst s4  }
0xd: {  	[smem:$0x3FAD] =	sst s5  }
0xe: {  	[smem:$0x3FAE] =	sst s6  }
0xf: {  	[smem:$0x3FAF] =	sst s7  }
0x10: {  	[smem:$0x3FB0] =	sst s8  }
0x11: {  	[smem:$0x3FB1] =	sst s9;
	s0 =	simm.s32 @!p0 $0x0  }
0x12: {  	s1 =	sld [smem:$0x3F97];
	s0 =	simm.s32 @p0 $0x1  }
0x13: {  	[smem:$0x3FB2] =	sst s0;
	s0 =	simm.s32 @!p1 $0x0  }
0x14: {  	s2 =	sld [smem:$0x3F96];
	s0 =	simm.s32 @p1 $0x1  }
0x15: {  	[smem:$0x3FB3] =	sst s0;
	s0 =	simm.s32 @!p2 $0x0  }
0x16: {  	s3 =	sld [smem:$0x3FDB];
	s0 =	simm.s32 @p2 $0x1  }
0x17: {  	s4 =	simm.s32 $0x1BF5;
	[smem:$0x3FB5] =	sst s0  }
0x18: {  	s0 =	sld [smem:$0x3F98];
	_ =	swait.ge [sflag:s4], $0x0  }
0x19: {  	s7 =	sld [smem:$0x3F99]  }
0x1a: {  	s8 =	sadd.s32 $0xFFFFE003, lr  }
0x1b: {  	s9 =	sadd.s32 $0xFFFFFEF7, lr;
	s5 =	simm.s32 $0xFFFFFFFF;
	p2 =	slt.u32 s8, $0xFFFFF086  }
0x1c: {  	p1 =	slt.u32 s9, $0xF7A;
	s5 =	simm.s32 @!p2 $0x0  }
0x1d: {  	s5 =	simm.s32 @p1 $0x1;
	p0 =	seq.s32 s7, s2  }
0x1e: {  	s7 =	smul.u32 @!p0 $0xF7A, s2;
	p2 =	seq.s32 @!p0 s5, $0x0  }
0x1f: {  	s9 =	smul.u32 $0xF7A, s1;
	s8 =	simm.s32 @!p0 $0x1BF5;
	p2 =	por !p2, p0  }
0x20: {  	[sflag:s8] =	ssyncset.s32 @!p0 $0xFFFFF086;
	s6 =	sadd.s32 @!p0 s3, s7;
	s7 =	simm.s32 @!p0 $0x108  }
0x21: {  	s3 =	sadd.s32 s3, s9;
	s6 =	sadd.s32 @!p0 $0x88, s6;
	s7 =	simm.s32 @p2 $0x1082  }
0x22: {  	[simem:s7], [sflag:s8] =	dma.local @!p0 [hbm:s6], $0xF7A  }
0x23: {  	s9 =	sor.u32 $0xD0000000, s2;
	s6 =	simm.s32 $0x108;
	_ =	swait.ge @!p0 [sflag:s8], $0x0  }
0x24: {  	s3 =	sadd.s32 $0x88, s3;
	s6 =	simm.s32 @!p1 $0x1082;
	[sflag:s4] =	ssyncset.s32 $0xFFFFF086  }
0x25: {  	[simem:s6], [sflag:s4] =	dma.local [hbm:s3], $0xF7A  }
0x26: {  	[smem:$0x3F99] =	sst s1;
	(tag) =	ssettag s2;
	_ =	strace s9  }
0x27: {  	s1 =	sld [smem:$0x3FA9]  }
0x28: {  	s2 =	sld [smem:$0x3FAA]  }
0x29: {  	s4 =	sld [smem:$0x3FAC]  }
0x2a: {  	p0 =	seq.s32 s5, $0x0;
	s5 =	sld [smem:$0x3FAD]  }
0x2b: {  	s6 =	sld [smem:$0x3FAE]  }
0x2c: {  	s7 =	sld [smem:$0x3FAF]  }
0x2d: {  	s3 =	simm.s32 $0x108;
	s8 =	sld [smem:$0x3FB0]  }
0x2e: {  	s3 =	simm.s32 @!p0 $0x1082;
	s9 =	sld [smem:$0x3FB1]  }
0x2f: {  	lr =	sadd.s32 s0, s3;
	s0 =	sld [smem:$0x3FA8]  }
0x30: {  	s3 =	sld [smem:$0x3FAB]  }
0x31: {  	[smem:$0x3FB4] =	sst s10  }
0x32: {  	s10 =	sld [smem:$0x3FB2];
	_ =	sdelay $0x3  }
0x33: {  	p0 =	seq.s32 s10, $0x1;
	s10 =	sld [smem:$0x3FB4];
	_ =	sdelay $0x3  }
0x34: {  	[smem:$0x3FB4] =	sst s10  }
0x35: {  	s10 =	sld [smem:$0x3FB3];
	_ =	sdelay $0x3  }
0x36: {  	p1 =	seq.s32 s10, $0x1;
	s10 =	sld [smem:$0x3FB4];
	_ =	sdelay $0x3  }
0x37: {  	[smem:$0x3FB4] =	sst s10  }
0x38: {  	s10 =	sld [smem:$0x3FB5]  }
0x39: {  	_ = 	snop;
	(pc) =	sbr.ind lr, $3  }
0x3a: {  	_ = 	snop  }
0x3b: {  	_ = 	snop  }
0x3c: {  	p2 =	seq.s32 s10, $0x1;
	s10 =	sld [smem:$0x3FB4]  }
0x3d: {  	_ =	shalt  }
0x3e: {  	_ =	shalt  }
0x3f: {  	_ =	shalt  }
0x40: {  	_ =	shalt  }
0x41: {  	_ =	shalt  }
0x42: {  	_ =	shalt  }
0x43: {  	_ =	shalt  }
0x44: {  	_ =	shalt  }
0x45: {  	_ =	shalt  }
0x46: {  	_ =	shalt  }
0x47: {  	_ =	shalt  }
0x48: {  	_ =	shalt  }
0x49: {  	_ =	shalt  }
0x4a: {  	_ =	shalt  }
0x4b: {  	_ =	shalt  }
0x4c: {  	_ =	shalt  }
0x4d: {  	_ =	shalt  }
0x4e: {  	_ =	shalt  }
0x4f: {  	_ =	shalt  }
0x50: {  	_ =	shalt  }
0x51: {  	_ =	shalt  }
0x52: {  	_ =	shalt  }
0x53: {  	_ =	shalt  }
0x54: {  	_ =	shalt  }
0x55: {  	_ =	shalt  }
0x56: {  	_ =	shalt  }
0x57: {  	_ =	shalt  }
0x58: {  	_ =	shalt  }
0x59: {  	_ =	shalt  }
0x5a: {  	_ =	shalt  }
0x5b: {  	_ =	shalt  }
0x5c: {  	_ =	shalt  }
0x5d: {  	_ =	shalt  }
0x5e: {  	_ =	shalt  }
0x5f: {  	_ =	shalt  }
0x60: {  	_ =	shalt  }
0x61: {  	_ =	shalt  }
0x62: {  	_ =	shalt  }
0x63: {  	_ =	shalt  }
0x64: {  	_ =	shalt  }
0x65: {  	_ =	shalt  }
0x66: {  	_ =	shalt  }
0x67: {  	_ =	shalt  }
0x68: {  	_ =	shalt  }
0x69: {  	_ =	shalt  }
0x6a: {  	_ =	shalt  }
0x6b: {  	_ =	shalt  }
0x6c: {  	_ =	shalt  }
0x6d: {  	_ =	shalt  }
0x6e: {  	_ =	shalt  }
0x6f: {  	_ =	shalt  }
0x70: {  	_ =	shalt  }
0x71: {  	_ =	shalt  }
0x72: {  	_ =	shalt  }
0x73: {  	_ =	shalt  }
0x74: {  	_ =	shalt  }
0x75: {  	_ =	shalt  }
0x76: {  	_ =	shalt  }
0x77: {  	_ =	shalt  }
0x78: {  	_ =	shalt  }
0x79: {  	_ =	shalt  }
0x7a: {  	_ =	shalt  }
0x7b: {  	_ =	shalt  }
0x7c: {  	_ =	shalt  }
0x7d: {  	_ =	shalt  }
0x7e: {  	_ =	shalt  }
0x7f: {  	_ =	shalt  }
0x80: {  	_ =	shalt  }
0x81: {  	_ =	shalt  }
0x82: {  	_ =	shalt  }
0x83: {  	_ =	shalt  }
0x84: {  	_ =	shalt  }
0x85: {  	_ =	shalt  }
0x86: {  	_ =	shalt  }
0x87: {  	_ =	shalt  }
.Lfunc_end0:
.L_simem_size_0:
called_computation_lowered:
.L_overlay_start_0:
0x88: {  	s2 =	sld [smem:$0x3FD9]  }
0x89: {  	s3 =	sld [smem:$0x3FFE];
	_ =	sdelay $0x1  }
0x8a: {  	s1 =	srdreg.scid  }
0x8b: {  	s0 =	sand.u32 $0x1, s1  }
0x8c: {  	s17 =	sshll.u32 s0, $0xA;
	s2 =	sadd.s32 s3, s2  }
0x8d: {  	s2 =	sadd.s32 s2, s17  }
0x8e: {  	[smem:$0x3FC0] =	sst s2  }
0x8f: {  	_ = 	snop  }
0x90: {  	s2 =	sld [smem:$0x3FD0];
	(tm) =	ssettm $0x1  }
0x91: {  	s18 =	sld [smem:$0x3FFB];
	_ =	sdelay $0x3  }
0x92: {  	_ =	strace s18  }
0x93: {  	s3 =	sld [smem:$0x3FFC];
	_ =	sdelay $0x3  }
0x94: {  	_ =	strace s3  }
0x95: {  	s3 =	sld [smem:$0x3FFD];
	_ =	sdelay $0x3  }
0x96: {  	_ =	strace s3  }
0x97: {  	_ =	strace $0x8FFFFFFF  }
0x98: {  	s19 =	sld [smem:$0x3FDB];
	_ =	sdelay $0x1  }
0x99: {  	s4 =	simm.s32 $_scs_section_size  }
0x9a: {  	s5 =	simm.s32 $_size__tile_overlayer_lowered;
	s6 =	simm.s32 $_tile_overlayer_lowered  }
0x9b: {  	s22 =	simm.s32 $0x1BFF;
	s21 =	sshll.u32 s6, $0x1;
	s3 =	sadd.s32 s4, s19  }
0x9c: {  	s7 =	simm.s32 $0x0;
	s20 =	sshll.u32 s5, $0x1;
	s5 =	sadd.s32 s21, s3  }
0x9d: {  	[timem:s7], [sflag:s22] =	dma.local [hbm:s5], s20  }
0x9e: {  	_ =	swait.ge [sflag:s22], s20  }
0x9f: {  	s4 =	ssub.s32 $0x0, s20;
	[sflag:s22] =	ssyncset.done $0x0  }
0xa0: {  	[sflag:s22] =	ssyncadd.s32 s4;
	_ =	sdelay $0x1  }
0xa1: {  	s23 =	simm.s32 $0x1B8B  }
0xa2: {  	_ =	swait.ge [sflag:s23], $0x1  }
0xa3: {  	[sflag:s23] =	ssyncset.done $0x0  }
0xa4: {  	s25 =	simm.s32 $0x1B8E;
	s24 =	sld [smem:$0x3FFE];
	[sflag:s23] =	ssyncadd.s32 $0xFFFFFFFF  }
0xa5: {  	s26 =	simm.s32 $execute0_lowered;
	[smem:$0x3FD2] =	sst s25  }
0xa6: {  	s5 =	sshll.u32 s26, $0x1;
	_ =	strace $0x80000046;
	[dreg:$0x1] =	wrdreg $0xFFFFFFFF  }
0xa7: {  	s28 =	simm.s32 $_size_execute0_lowered;
	s3 =	sadd.s32 s3, s5;
	[dreg:$0x0] =	wrdreg $0x0  }
0xa8: {  	s5 =	sshll.u32 s28, $0x1;
	[dreg:$0x2] =	wrdreg s3  }
0xa9: {  	[dreg:$0x3] =	wrdreg s5  }
0xaa: {  	[dreg:$0x4] =	wrdreg $0xC0  }
0xab: {  	_ =	task [dreg:s7], $0x5FFFF  }
0xac: {  	[dreg:$0x1] =	wrdreg $0xFFFFFFFF  }
0xad: {  	[dreg:$0x0] =	wrdreg $0x60  }
0xae: {  	[dreg:$0x2] =	wrdreg s2  }
0xaf: {  	[dreg:$0x3] =	wrdreg s24  }
0xb0: {  	[dreg:$0x4] =	wrdreg $0x28800  }
0xb1: {  	[dreg:$0x5] =	wrdreg $0x9  }
0xb2: {  	_ =	task.clear_ibuf [dreg:s7], $0x6FFFF;
	_ =	strace $0x90000046  }
0xb3: {  	s29 =	simm.s32 $0x9;
	_ =	strace $0x80000048  }
0xb4: {  	_ =	swait.ge [sflag:s29], $0x1  }
0xb5: {  	[sflag:s29] =	ssyncadd.s32 $0xFFFFFFFF  }
0xb6: {  	_ =	strace $0x90000048  }
0xb7: {  	_ =	sfence  }
0xb8: {  	s30 =	sld [smem:$0x0];
	_ =	sdelay $0x2  }
0xb9: {  	s31 =	sshll.u32 s1, $0xD;
	s1 =	sshrl.u32 s1, $0x2  }
0xba: {  	s3 =	sand.u32 $0x4000, s31;
	s1 =	sadd.s32 s1, s30  }
0xbb: {  	s0 =	sor.u32 s3, s0;
	s1 =	sshll.u32 s1, $0x11  }
0xbc: {  	s0 =	sor.u32 s1, s0  }
0xbd: {  	s0 =	sadd.s32 $0x8F2B, s0  }
0xbe: {  	[sflag:s0] =	ssyncadd.remote.s32 $0x1  }
0xbf: {  	_ =	sfence.sel $0xFFFF  }
0xc0: {  	[dreg:$0x0] =	wrdreg $0xFFFFFFFF;
	(pc) =	sbr.abs _section_cstart, $3  }
0xc1: {  	[dreg:$0x1] =	wrdreg $0xFFFFFFFF  }
0xc2: {  	_ =	task.clear_ibuf [dreg:s7], $0x2FFFF;
	_ =	strace $0x9FFFFFFF  }
0xc3: {  	(tm) =	ssettm $0x7FFFFFFF  }
tec
execute0_lowered:
.L_overlay_start_1:
0x0: {  	(tag) =	ssettag $0x1  }
0x1: {  	s6 =	rddreg [dreg:$0x0]  }
0x2: {  	s4 =	rddreg [dreg:$0x1]  }
0x3: {  	s2 =	rddreg [dreg:$0x2]  }
0x4: {  	s0 =	rddreg [dreg:$0x3];
	s1 =	stileid.u32  }
0x5: {  	s3 =	simm.s32 $0x0;
	s7 =	srdreg.scid;
	s12 =	simm.s32 $0x2800  }
0x6: {  	s13 =	simm.s32 $0x20;
	s14 =	simm.s32 $0x10;
	s15 =	simm.s32 $0x0  }
0x7: {  	s5 =	smul.u32 $0x280, s1;
	[smem:$0x7FF] =	sst s3;
	s7 =	sand.u32 $0x1, s7  }
0x8: {  	s8 =	smul.u32 $0x500, s1;
	s26 =	sshll.u32 s1, $0x1;
	s31 =	sshll.u32 s1, $0x6  }
0x9: {  	_ =	strace $0x80000047;
	s10 =	sshll.u32 s7, $0x7;
	s11 =	ssub.s32 $0x2, s7  }
0xa: {  	s7 =	sor.u32 s7, s26;
	s9 =	sshrl.u32 s5, $0x3;
	s8 =	sor.u32 s10, s8  }
0xb: {  	s28 =	sshrl.u32 s11, $0x1;
	s7 =	smul.u32 $0x500, s7;
	s30 =	sadd.s32 s5, s2  }
0xc: {  	s5 =	sor.u32 $0x1C01, s31;
	s10 =	simm.s32 $0x1;
	s9 =	sadd.s32 s9, s4  }
0xd: {  	s8 =	sshrl.u32 s8, $0x3;
	s29 =	ssub.s32 s11, s28;
	s11 =	simm.s32 $0x80  }
0xe: {  	s8 =	sadd.s32 s8, s4;
	s4 =	sadd.s32 $0x2E00, s9;
	s6 =	sadd.s32 s6, s7  }
0xf: {  	v0 =	vimm.f32 $1.000000000e+00;
	s9 =	sshrl.u32 s30, $0x3;
	s7 =	sadd.s32 $0x3400, s8;
	s8 =	smax.u32 s29, $0x1  }
.LBB2_1:
0x10: {  	[spmem:s9], [sflag:s5] =	dma.local [hbm:s4], $0x50  }
0x11: {  	_ =	swait.ge [sflag:s10], $0x50  }
0x12: {  	[sflag:s10] =	ssyncset.done $0x0  }
0x13: {  	[sflag:s10] =	ssyncadd.s32 $0xFFFFFFB0  }
0x14: {  	[tilespmem:s3], [sflag:$0x1] =	stream.linear.gather [hbm4b:s6+s3], $0x2780, $0x38;
	[tilespmem:$0x2B00] =	vst v63  }
0x15: {  	_ =	swait.ge [sflag:s10], $0x2780  }
0x16: {  	[sflag:s10] =	ssyncset.done $0x0  }
0x17: {  	[sflag:s10] =	ssyncadd.s32 $0xFFFFD880  }
0x18: {  	[tilespmem:$0x2800] =	vst v0  }
0x19: {  	[tilespmem:$0x2810] =	vst v0  }
0x1a: {  	[tilespmem:$0x2820] =	vst v0  }
0x1b: {  	[tilespmem:$0x2830] =	vst v0  }
0x1c: {  	[tilespmem:$0x2840] =	vst v0  }
0x1d: {  	[tilespmem:$0x2850] =	vst v0  }
0x1e: {  	[tilespmem:$0x2860] =	vst v0  }
0x1f: {  	[tilespmem:$0x2870] =	vst v0  }
0x20: {  	s16 =	simm.s32 $0x0;
	[bflag:$0x0] =	sbarrier.arrive $0xFFFF  }
0x21: {  	[spmem:s2] =	stream.indirect.scatter.add.f32 [tilespmem:s12], [sflag:$0x1], $0x1, s16, s11, $0xb8;
	[tilespmem:$0x2B00] =	vst v63  }
0x22: {  	_ =	swait.ge [sflag:s10], $0x80  }
0x23: {  	s16 =	simm.s32 $0x200;
	[sflag:s10] =	ssyncset.done $0x0  }
.LBB2_2:
0x24: {  	s17 =	sshra.s32 s16, $0x2;
	[sflag:s10] =	ssyncadd.s32 $0xFFFFFF80;
	p0 =	sne.s32 s16, $0x9C00  }
0x25: {  	[spmem:s2] =	stream.indirect.scatter.add.f32 [tilespmem:s12], [sflag:$0x1], $0x1, s17, s11, $0xb8;
	[tilespmem:$0x2B00] =	vst v63  }
.Ltmp0:
0x26: {  	_ = 	snop;
	(pc) =	sbr.rel @p0 .LBB2_2-.Ltmp0, $4  }
0x27: {  	_ = 	snop  }
0x28: {  	s16 =	sadd.s32 $0x200, s16  }
0x29: {  	_ =	swait.ge [sflag:s10], $0x80  }
0x2a: {  	[sflag:s10] =	ssyncset.done $0x0  }
0x2b: {  	s15 =	sadd.s32 $0x1, s15  }
0x2c: {  	[sflag:s10] =	ssyncadd.s32 $0xFFFFFF80;
	p0 =	sne.s32 s15, s8  }
.Ltmp1:
0x2d: {  	[bflag:$0x0] =	sbarrier.arrive $0xFFFF;
	(pc) =	sbr.rel @p0 .LBB2_1-.Ltmp1, $4  }
0x2e: {  	[hbm:s7@s13], [sflag:s5] =	dma.strided [spmem:s9@s14], $0x50, s10, $0x10   }
0x2f: {  	_ =	swait.ge [sflag:s10], $0x50  }
0x30: {  	[sflag:s10] =	ssyncset.done $0x0  }
0x31: {  	[sflag:s10] =	ssyncadd.s32 $0xFFFFFFB0  }
0x32: {  	_ =	sfence.sel $0x180000  }
0x33: {  	[bflag:$0x0] =	sbarrier.arrive $0xFFFF  }
0x34: {  	p0 =	sne.s32 s1, $0x0;
	_ =	strace $0x90000047  }
0x35: {  	s0 =	sadd.s32 @!p0 $0x100000, s0;
	[bflag:$0x2] =	sbarrier.arrive $0xFFFF  }
0x36: {  	[sflag:s0] =	ssyncadd.tile.s32 @!p0 $0x1;
	_ =	shalt  }
.Lfunc_end2:
_tile_overlayer_lowered:
.L_overlay_start_2:
0x37: {  	(tag) =	ssettag $0x2  }
0x38: {  	s0 =	rddreg [dreg:$0x0];
	s2 =	stileid.u32  }
0x39: {  	s1 =	rddreg [dreg:$0x1];
	p0 =	sne.s32 s2, $0x0  }
0x3a: {  	s3 =	rddreg [dreg:$0x2];
	[bflag:$0x3] =	sbarrier.arrive $0xFFFF;
	s2 =	simm.s32 @!p0 $0x1C01  }
0x3b: {  	[timem:s3], [sflag:s2] =	dma.local @!p0 [hbm:s0], s1  }
0x3c: {  	s0 =	simm.s32 @!p0 $0x1  }
0x3d: {  	_ =	swait.ge @!p0 [sflag:s0], s1  }
0x3e: {  	s1 =	ssub.s32 @!p0 $0x0, s1;
	[sflag:s0] =	ssyncset.done @!p0 $0x0  }
0x3f: {  	[sflag:s0] =	ssyncadd.s32 @!p0 s1  }
0x40: {  	[bflag:$0x3] =	sbarrier.arrive $0xFFFF  }
0x41: {  	_ =	shalt  }

</sc_bundles>
